<compile_context>
chip_gen: v7x
topology: tpu7x:2x2x1
jax: 0.10.2.dev20260603
libtpu: 0.0.44.dev20260713+nightly
codegen_flags: <defaults>
</compile_context>

<pallas_src>
import functools

import jax
import jax.numpy as jnp
from jax import lax
from jax.experimental import pallas as pl
from jax.experimental.pallas import tpu as pltpu
from jax.experimental.pallas import tpu_sc as plsc

N_NODES = 10000
F = 128
NC = 2
NS = 16
NW = NC * NS
CHUNK = 128
NPAD = 10240
RPT = NPAD // NS
E_EDGES = 320000
CPT = 79
EPAD = NW * CHUNK * CPT

_mesh = plsc.VectorSubcoreMesh(core_axis_name="c", subcore_axis_name="s")


@functools.partial(
    pl.kernel,
    mesh=_mesh,
    out_type=jax.ShapeDtypeStruct((NC, NPAD, F), jnp.float32),
    scratch_types=[
        pltpu.VMEM((CPT + 1, CHUNK), jnp.int32),
        pltpu.VMEM((CHUNK, F), jnp.float32),
        pltpu.VMEM_SHARED((NPAD, F), jnp.float32),
    ],
)
def _deg_kernel(dst_hbm, ones_hbm, zeros_hbm, out_hbm, idx_v, ones_v, acc_sh):
    c = lax.axis_index("c")
    s = lax.axis_index("s")
    w = c * NS + s
    pltpu.sync_copy(ones_hbm, ones_v)
    pltpu.sync_copy(zeros_hbm.at[pl.ds(s * RPT, RPT)],
                    acc_sh.at[pl.ds(s * RPT, RPT)])
    pltpu.sync_copy(dst_hbm.at[w], idx_v)
    plsc.subcore_barrier()

    def body(j, carry):
        pltpu.sync_copy(ones_v, acc_sh.at[idx_v.at[j]], add=True)
        return carry

    lax.fori_loop(0, CPT, body, 0)
    plsc.subcore_barrier()
    pltpu.sync_copy(acc_sh.at[pl.ds(s * RPT, RPT)],
                    out_hbm.at[c, pl.ds(s * RPT, RPT)])


@functools.partial(
    pl.kernel,
    mesh=_mesh,
    out_type=jax.ShapeDtypeStruct((NC, NPAD, F), jnp.float32),
    scratch_types=[
        pltpu.VMEM((40, CHUNK), jnp.int32),
        pltpu.VMEM((40, CHUNK), jnp.int32),
        pltpu.VMEM((CHUNK, F), jnp.float32),
        pltpu.VMEM((CHUNK, F), jnp.float32),
        pltpu.VMEM_SHARED((NPAD, F), jnp.float32),
        pltpu.SemaphoreType.DMA,
        pltpu.SemaphoreType.DMA,
    ],
)
def _agg_kernel(h_hbm, src_hbm, dst_hbm, out_hbm, srcv, dstv, buf0, buf1,
                acc_sh, sem0, sem1):
    c = lax.axis_index("c")
    s = lax.axis_index("s")
    w = c * NS + s
    pltpu.sync_copy(h_hbm.at[pl.ds(s * RPT, RPT)], acc_sh.at[pl.ds(s * RPT, RPT)])
    plsc.subcore_barrier()

    for ph, n in ((0, 40), (1, CPT - 40)):
        pltpu.sync_copy(src_hbm.at[w, pl.ds(ph * 40, 40)], srcv)
        pltpu.sync_copy(dst_hbm.at[w, pl.ds(ph * 40, 40)], dstv)

        def body(it, carry):
            jj = it * 2
            cpa = pltpu.async_copy(h_hbm.at[srcv.at[jj]], buf0, sem0)
            cpb = pltpu.async_copy(h_hbm.at[srcv.at[jj + 1]], buf1, sem1)
            cpa.wait()
            pltpu.sync_copy(buf0, acc_sh.at[dstv.at[jj]], add=True)
            cpb.wait()
            pltpu.sync_copy(buf1, acc_sh.at[dstv.at[jj + 1]], add=True)
            return carry

        lax.fori_loop(0, n // 2, body, 0)
        if n % 2:
            pltpu.async_copy(h_hbm.at[srcv.at[n - 1]], buf0, sem0).wait()
            pltpu.sync_copy(buf0, acc_sh.at[dstv.at[n - 1]], add=True)
    plsc.subcore_barrier()
    pltpu.sync_copy(acc_sh.at[pl.ds(s * RPT, RPT)],
                    out_hbm.at[c, pl.ds(s * RPT, RPT)])


def _mm1_body(x_ref, w_ref, degp_ref, out_ref, dinv_ref):
    deg = degp_ref[0, :, 0:1] + degp_ref[1, :, 0:1] + 1.0
    dinv = lax.rsqrt(jnp.maximum(deg, 1.0))
    dinv_ref[...] = jnp.broadcast_to(dinv, dinv_ref.shape)
    out_ref[...] = jnp.dot(x_ref[...], w_ref[...],
                           preferred_element_type=jnp.float32) * dinv


def _mm2_body(p_ref, h_ref, dinv8_ref, w_ref, b_ref, out_ref):
    dinv = dinv8_ref[:, 0:1]
    agg = p_ref[0] + p_ref[1] - h_ref[...]
    x2 = jnp.maximum(agg * dinv + b_ref[0:1, :], 0.0)
    out_ref[...] = jnp.dot(x2, w_ref[...],
                           preferred_element_type=jnp.float32) * dinv


def _fin_body(q_ref, h_ref, dinv8_ref, b_ref, out_ref):
    dinv = dinv8_ref[:, 0:1]
    out_ref[...] = (q_ref[0] + q_ref[1] - h_ref[...]) * dinv + b_ref[0:1, :]


_B = 1024
_GRID = (NPAD // _B,)
_bs_rows = pl.BlockSpec((_B, F), lambda i: (i, 0))
_bs_w = pl.BlockSpec((F, F), lambda i: (0, 0))
_bs_deg = pl.BlockSpec((NC, _B, F), lambda i: (0, i, 0))
_bs_part = pl.BlockSpec((NC, _B, F), lambda i: (0, i, 0))
_bs_b = pl.BlockSpec((8, F), lambda i: (0, 0))
_bs_dinv = pl.BlockSpec((_B, 8), lambda i: (i, 0))

_mm1 = pl.pallas_call(
    _mm1_body, grid=_GRID,
    in_specs=[_bs_rows, _bs_w, _bs_deg],
    out_specs=[_bs_rows, _bs_dinv],
    out_shape=[jax.ShapeDtypeStruct((NPAD, F), jnp.float32),
               jax.ShapeDtypeStruct((NPAD, 8), jnp.float32)],
)

_mm2 = pl.pallas_call(
    _mm2_body, grid=_GRID,
    in_specs=[_bs_part, _bs_rows, _bs_dinv, _bs_w, _bs_b],
    out_specs=_bs_rows,
    out_shape=jax.ShapeDtypeStruct((NPAD, F), jnp.float32),
)

_fin = pl.pallas_call(
    _fin_body, grid=_GRID,
    in_specs=[_bs_part, _bs_rows, _bs_dinv, _bs_b],
    out_specs=_bs_rows,
    out_shape=jax.ShapeDtypeStruct((NPAD, F), jnp.float32),
)


def kernel(x, edge_index, W1, b1, W2, b2):
    src = edge_index[0].astype(jnp.int32)
    dst = edge_index[1].astype(jnp.int32)
    npad_e = EPAD - src.shape[0]
    pad_src = jnp.arange(npad_e, dtype=jnp.int32) % N_NODES
    pad_dst = N_NODES + (jnp.arange(npad_e, dtype=jnp.int32) % (NPAD - N_NODES))
    src_p = jnp.concatenate([src, pad_src]).reshape(NW, CPT, CHUNK)
    dst_p = jnp.concatenate([dst, pad_dst]).reshape(NW, CPT, CHUNK)
    filler = jnp.zeros((NW, 1, CHUNK), jnp.int32)
    src_p = jnp.concatenate([src_p, filler], axis=1)
    dst_p = jnp.concatenate([dst_p, filler], axis=1)
    x_p = jnp.zeros((NPAD, F), jnp.float32).at[:N_NODES].set(x)
    b1_p = jnp.zeros((8, F), jnp.float32).at[0].set(b1)
    b2_p = jnp.zeros((8, F), jnp.float32).at[0].set(b2)

    ones_c = jnp.ones((CHUNK, F), jnp.float32)
    zeros_c = jnp.zeros((NPAD, F), jnp.float32)
    degp = _deg_kernel(dst_p, ones_c, zeros_c)
    h1s, dinv8 = _mm1(x_p, W1, degp)
    p = _agg_kernel(h1s, src_p, dst_p)
    h2s = _mm2(p, h1s, dinv8, W2, b1_p)
    q = _agg_kernel(h2s, src_p, dst_p)
    out = _fin(q, h2s, dinv8, b2_p)
    return out[:N_NODES]

# --- scband reference (transcript-rebuilt; emitter-appended) ---
"""Pipeline reference for scband-node-prediction-gcn-88424786690105 (READ-ONLY COPY).

The authoritative reference and input builder live on the scoring server;
editing this copy changes nothing except your own understanding.
"""

import jax, jax.numpy as jnp
import numpy as np

N_NODES = 10000
IN_F = 128
HID_F = 128
OUT_F = 128


def _gcn_conv(x, src, dst, W, b, num_nodes):
    # add self loops
    loop = jnp.arange(num_nodes, dtype=src.dtype)
    src = jnp.concatenate([src, loop])
    dst = jnp.concatenate([dst, loop])
    # linear transform
    h = x @ W
    # symmetric normalization deg^-1/2 (deg computed on dst, self loops included)
    deg = jnp.zeros((num_nodes,), dtype=x.dtype).at[dst].add(1.0)
    dinv = jax.lax.rsqrt(jnp.maximum(deg, 1.0))
    norm = dinv[src] * dinv[dst]
    # gather messages from src, scale, scatter-add into dst
    msg = h[src] * norm[:, None]
    out = jnp.zeros((num_nodes, h.shape[1]), dtype=x.dtype).at[dst].add(msg)
    return out + b


def setup_inputs(seed: int = 0) -> dict:
    key = jax.random.key(seed)
    k1, k2, k3, k4, k5, k6 = jax.random.split(key, 6)
    x = jax.random.normal(k1, (N_NODES, IN_F), dtype=jnp.float32)
    edge_index = jax.random.randint(k2, (2, 320000), 0, N_NODES, dtype=jnp.int64)
    # GCNConv weights (Glorot-uniform-like init) and biases
    lim1 = float(np.sqrt(6.0 / (IN_F + HID_F)))
    W1 = jax.random.uniform(k3, (IN_F, HID_F), minval=-lim1, maxval=lim1, dtype=jnp.float32)
    b1 = jnp.zeros((HID_F,), dtype=jnp.float32)
    lim2 = float(np.sqrt(6.0 / (HID_F + OUT_F)))
    W2 = jax.random.uniform(k4, (HID_F, OUT_F), minval=-lim2, maxval=lim2, dtype=jnp.float32)
    b2 = jnp.zeros((OUT_F,), dtype=jnp.float32)
    return {"x": x, "edge_index": edge_index, "W1": W1, "b1": b1, "W2": W2, "b2": b2}


def reference(x, edge_index, W1, b1, W2, b2):
    src, dst = edge_index[0], edge_index[1]
    h = _gcn_conv(x, src, dst, W1, b1, N_NODES)
    h = jax.nn.relu(h)
    # dropout is identity in eval/deterministic mode
    out = _gcn_conv(h, src, dst, W2, b2, N_NODES)
    return out

if __name__ == "__main__":
    import jax
    _d = setup_inputs()
    print(jax.jit(kernel)(*tuple(_d.values())))

</pallas_src>

<mosaic_0001>
#map = affine_map<(d0, d1) -> (0, 0, 0)>
#map1 = affine_map<(d0, d1) -> (0, 0)>
module attributes {stable_mosaic.version = 14 : i64} {
  func.func @_deg_kernel(%arg0: i32, %arg1: i32, %arg2: memref<32x80x128xi32, #tpu.memory_space<hbm>>, %arg3: memref<128x128xf32, #tpu.memory_space<hbm>>, %arg4: memref<10240x128xf32, #tpu.memory_space<hbm>>, %arg5: memref<2x10240x128xf32, #tpu.memory_space<hbm>>, %arg6: memref<80x128xi32, #tpu.memory_space<vmem>>, %arg7: memref<128x128xf32, #tpu.memory_space<vmem>>, %arg8: memref<10240x128xf32, #tpu.memory_space<vmem_shared>>) attributes {dimension_semantics = [#tpu.dimension_semantics<core_parallel>, #tpu.dimension_semantics<subcore_parallel>], iteration_bounds = array<i64: 2, 16>, scalar_prefetch = 0 : i64, scratch_operands = 3 : i64, tpu.core_type = #tpu.core_type<sc_vector_subcore>, window_params = [{transform_indices = #map}, {transform_indices = #map1}, {transform_indices = #map1}, {transform_indices = #map}]} {
    %mul3A = arith.constant 16 : i32
    %mul3A_0 = arith.muli %arg0, %mul3A : i32
    %add3A = arith.addi %mul3A_0, %arg1 : i32
    "tpu.region"() ({
      %run_scoped3A = tpu.sem_alloc : memref<!tpu.dma_semaphore, #tpu.memory_space<semaphore_mem>>
      tpu.enqueue_dma source(%arg3 : memref<128x128xf32, #tpu.memory_space<hbm>>) target(%arg7 : memref<128x128xf32, #tpu.memory_space<vmem>>) target_semaphore(%run_scoped3A : memref<!tpu.dma_semaphore, #tpu.memory_space<semaphore_mem>>)
      tpu.wait_dma2 semaphore(%run_scoped3A : memref<!tpu.dma_semaphore, #tpu.memory_space<semaphore_mem>>) src(%arg3 : memref<128x128xf32, #tpu.memory_space<hbm>>) dst(%arg7 : memref<128x128xf32, #tpu.memory_space<vmem>>)
      tpu.yield
    }) : () -> ()
    %mul3A_1 = arith.constant 640 : i32
    %mul3A_2 = arith.muli %arg1, %mul3A_1 : i32
    %mul3A_3 = arith.constant 640 : i32
    %mul3A_4 = arith.muli %arg1, %mul3A_3 : i32
    "tpu.region"() ({
      %run_scoped3A = tpu.sem_alloc : memref<!tpu.dma_semaphore, #tpu.memory_space<semaphore_mem>>
      %dma_start3A = arith.constant 0 : i32
      %dma_start3A_15 = tpu.memref_slice %arg8[%mul3A_4, %dma_start3A] : memref<10240x128xf32, #tpu.memory_space<vmem_shared>> -> memref<640x128xf32, #tpu.memory_space<vmem_shared>>
      %dma_start3A_16 = arith.constant 0 : i32
      %dma_start3A_17 = tpu.memref_slice %arg4[%mul3A_2, %dma_start3A_16] : memref<10240x128xf32, #tpu.memory_space<hbm>> -> memref<640x128xf32, #tpu.memory_space<hbm>>
      tpu.enqueue_dma source(%dma_start3A_17 : memref<640x128xf32, #tpu.memory_space<hbm>>) target(%dma_start3A_15 : memref<640x128xf32, #tpu.memory_space<vmem_shared>>) target_semaphore(%run_scoped3A : memref<!tpu.dma_semaphore, #tpu.memory_space<semaphore_mem>>)
      %dma_wait3A = arith.constant 0 : i32
      %dma_wait3A_18 = tpu.memref_slice %arg8[%mul3A_4, %dma_wait3A] : memref<10240x128xf32, #tpu.memory_space<vmem_shared>> -> memref<640x128xf32, #tpu.memory_space<vmem_shared>>
      %dma_wait3A_19 = arith.constant 0 : i32
      %dma_wait3A_20 = tpu.memref_slice %arg4[%mul3A_2, %dma_wait3A_19] : memref<10240x128xf32, #tpu.memory_space<hbm>> -> memref<640x128xf32, #tpu.memory_space<hbm>>
      tpu.wait_dma2 semaphore(%run_scoped3A : memref<!tpu.dma_semaphore, #tpu.memory_space<semaphore_mem>>) src(%dma_wait3A_20 : memref<640x128xf32, #tpu.memory_space<hbm>>) dst(%dma_wait3A_18 : memref<640x128xf32, #tpu.memory_space<vmem_shared>>)
      tpu.yield
    }) : () -> ()
    "tpu.region"() ({
      %run_scoped3A = tpu.sem_alloc : memref<!tpu.dma_semaphore, #tpu.memory_space<semaphore_mem>>
      %dma_start3A = arith.constant 0 : i32
      %dma_start3A_15 = arith.constant 0 : i32
      %dma_start3A_16 = tpu.memref_slice %arg2[%add3A, %dma_start3A, %dma_start3A_15] : memref<32x80x128xi32, #tpu.memory_space<hbm>> -> memref<1x80x128xi32, #tpu.memory_space<hbm>>
      %dma_start3A_17 = tpu.memref_squeeze %dma_start3A_16 : memref<1x80x128xi32, #tpu.memory_space<hbm>> -> memref<80x128xi32, #tpu.memory_space<hbm>>
      %dma_start3A_18 = arith.constant 0 : i32
      %dma_start3A_19 = arith.constant 0 : i32
      %dma_start3A_20 = tpu.memref_slice %arg2[%add3A, %dma_start3A_18, %dma_start3A_19] : memref<32x80x128xi32, #tpu.memory_space<hbm>> -> memref<1x80x128xi32, #tpu.memory_space<hbm>>
      %dma_start3A_21 = tpu.memref_squeeze %dma_start3A_20 : memref<1x80x128xi32, #tpu.memory_space<hbm>> -> memref<80x128xi32, #tpu.memory_space<hbm>>
      tpu.enqueue_dma source(%dma_start3A_21 : memref<80x128xi32, #tpu.memory_space<hbm>>) target(%arg6 : memref<80x128xi32, #tpu.memory_space<vmem>>) target_semaphore(%run_scoped3A : memref<!tpu.dma_semaphore, #tpu.memory_space<semaphore_mem>>)
      %dma_wait3A = arith.constant 0 : i32
      %dma_wait3A_22 = arith.constant 0 : i32
      %dma_wait3A_23 = tpu.memref_slice %arg2[%add3A, %dma_wait3A, %dma_wait3A_22] : memref<32x80x128xi32, #tpu.memory_space<hbm>> -> memref<1x80x128xi32, #tpu.memory_space<hbm>>
      %dma_wait3A_24 = tpu.memref_squeeze %dma_wait3A_23 : memref<1x80x128xi32, #tpu.memory_space<hbm>> -> memref<80x128xi32, #tpu.memory_space<hbm>>
      %dma_wait3A_25 = arith.constant 0 : i32
      %dma_wait3A_26 = arith.constant 0 : i32
      %dma_wait3A_27 = tpu.memref_slice %arg2[%add3A, %dma_wait3A_25, %dma_wait3A_26] : memref<32x80x128xi32, #tpu.memory_space<hbm>> -> memref<1x80x128xi32, #tpu.memory_space<hbm>>
      %dma_wait3A_28 = tpu.memref_squeeze %dma_wait3A_27 : memref<1x80x128xi32, #tpu.memory_space<hbm>> -> memref<80x128xi32, #tpu.memory_space<hbm>>
      tpu.wait_dma2 semaphore(%run_scoped3A : memref<!tpu.dma_semaphore, #tpu.memory_space<semaphore_mem>>) src(%dma_wait3A_28 : memref<80x128xi32, #tpu.memory_space<hbm>>) dst(%arg6 : memref<80x128xi32, #tpu.memory_space<vmem>>)
      tpu.yield
    }) : () -> ()
    %barrier3A = arith.constant 0 : index
    tpu.barrier barrier_id(%barrier3A)
    %scan3A = arith.constant 0 : i32
    %scan3A_5 = arith.constant 0 : i32
    %scan3A_6 = arith.constant 79 : i32
    %scan3A_7 = arith.addi %scan3A_5, %scan3A_6 : i32
    %scan3A_8 = arith.constant 1 : i32
    scf.for %scan3A_15 = %scan3A_5 to %scan3A_7 step %scan3A_8  : i32 {
      "tpu.region"() ({
        %run_scoped3A = tpu.sem_alloc : memref<!tpu.dma_semaphore, #tpu.memory_space<semaphore_mem>>
        %dma_start3A = arith.constant 0 : i32
        %dma_start3A_16 = tpu.memref_slice %arg6[%scan3A_15, %dma_start3A] : memref<80x128xi32, #tpu.memory_space<vmem>> -> memref<1x128xi32, #tpu.memory_space<vmem>>
        %dma_start3A_17 = tpu.memref_squeeze %dma_start3A_16 : memref<1x128xi32, #tpu.memory_space<vmem>> -> memref<128xi32, #tpu.memory_space<vmem>>
        %dma_start3A_18 = arith.constant 0 : i32
        %dma_start3A_19 = arith.constant 0 : i32
        %dma_start3A_20 = tpu.memref_slice %arg8[%dma_start3A_18, %dma_start3A_19] : memref<10240x128xf32, #tpu.memory_space<vmem_shared>> -> memref<10240x128xf32, #tpu.memory_space<vmem_shared>>
        tpu.enqueue_indirect_dma source(%arg7 : memref<128x128xf32, #tpu.memory_space<vmem>>) target(%dma_start3A_20 : memref<10240x128xf32, #tpu.memory_space<vmem_shared>>) offsets(%dma_start3A_17 : memref<128xi32, #tpu.memory_space<vmem>>) semaphore(%run_scoped3A : memref<!tpu.dma_semaphore, #tpu.memory_space<semaphore_mem>>) {add = true}
        %dma_wait3A = arith.constant 0 : i32
        %dma_wait3A_21 = tpu.memref_slice %arg6[%scan3A_15, %dma_wait3A] : memref<80x128xi32, #tpu.memory_space<vmem>> -> memref<1x128xi32, #tpu.memory_space<vmem>>
        %dma_wait3A_22 = tpu.memref_squeeze %dma_wait3A_21 : memref<1x128xi32, #tpu.memory_space<vmem>> -> memref<128xi32, #tpu.memory_space<vmem>>
        %dma_wait3A_23 = arith.constant 0 : i32
        %dma_wait3A_24 = arith.constant 0 : i32
        %dma_wait3A_25 = tpu.memref_slice %arg8[%dma_wait3A_23, %dma_wait3A_24] : memref<10240x128xf32, #tpu.memory_space<vmem_shared>> -> memref<10240x128xf32, #tpu.memory_space<vmem_shared>>
        tpu.wait_indirect_dma semaphore(%run_scoped3A : memref<!tpu.dma_semaphore, #tpu.memory_space<semaphore_mem>>) src(%arg7 : memref<128x128xf32, #tpu.memory_space<vmem>>) dst(%dma_wait3A_25 : memref<10240x128xf32, #tpu.memory_space<vmem_shared>>)
        tpu.yield
      }) : () -> ()
    }
    %scan3A_9 = arith.constant 79 : i32
    %barrier3A_10 = arith.constant 0 : index
    tpu.barrier barrier_id(%barrier3A_10)
    %mul3A_11 = arith.constant 640 : i32
    %mul3A_12 = arith.muli %arg1, %mul3A_11 : i32
    %mul3A_13 = arith.constant 640 : i32
    %mul3A_14 = arith.muli %arg1, %mul3A_13 : i32
    "tpu.region"() ({
      %run_scoped3A = tpu.sem_alloc : memref<!tpu.dma_semaphore, #tpu.memory_space<semaphore_mem>>
      %dma_start3A = arith.constant 0 : i32
      %dma_start3A_15 = tpu.memref_slice %arg5[%arg0, %mul3A_14, %dma_start3A] : memref<2x10240x128xf32, #tpu.memory_space<hbm>> -> memref<1x640x128xf32, #tpu.memory_space<hbm>>
      %dma_start3A_16 = tpu.memref_squeeze %dma_start3A_15 : memref<1x640x128xf32, #tpu.memory_space<hbm>> -> memref<640x128xf32, #tpu.memory_space<hbm>>
      %dma_start3A_17 = arith.constant 0 : i32
      %dma_start3A_18 = tpu.memref_slice %arg8[%mul3A_12, %dma_start3A_17] : memref<10240x128xf32, #tpu.memory_space<vmem_shared>> -> memref<640x128xf32, #tpu.memory_space<vmem_shared>>
      tpu.enqueue_dma source(%dma_start3A_18 : memref<640x128xf32, #tpu.memory_space<vmem_shared>>) target(%dma_start3A_16 : memref<640x128xf32, #tpu.memory_space<hbm>>) target_semaphore(%run_scoped3A : memref<!tpu.dma_semaphore, #tpu.memory_space<semaphore_mem>>)
      %dma_wait3A = arith.constant 0 : i32
      %dma_wait3A_19 = tpu.memref_slice %arg5[%arg0, %mul3A_14, %dma_wait3A] : memref<2x10240x128xf32, #tpu.memory_space<hbm>> -> memref<1x640x128xf32, #tpu.memory_space<hbm>>
      %dma_wait3A_20 = tpu.memref_squeeze %dma_wait3A_19 : memref<1x640x128xf32, #tpu.memory_space<hbm>> -> memref<640x128xf32, #tpu.memory_space<hbm>>
      %dma_wait3A_21 = arith.constant 0 : i32
      %dma_wait3A_22 = tpu.memref_slice %arg8[%mul3A_12, %dma_wait3A_21] : memref<10240x128xf32, #tpu.memory_space<vmem_shared>> -> memref<640x128xf32, #tpu.memory_space<vmem_shared>>
      tpu.wait_dma2 semaphore(%run_scoped3A : memref<!tpu.dma_semaphore, #tpu.memory_space<semaphore_mem>>) src(%dma_wait3A_22 : memref<640x128xf32, #tpu.memory_space<vmem_shared>>) dst(%dma_wait3A_20 : memref<640x128xf32, #tpu.memory_space<hbm>>)
      tpu.yield
    }) : () -> ()
    return
  }
}

#map = affine_map<(d0, d1) -> (0, 0)>
#map1 = affine_map<(d0, d1) -> (0, 0, 0)>
module attributes {stable_mosaic.version = 14 : i64} {
  func.func @_agg_kernel(%arg0: i32, %arg1: i32, %arg2: memref<10240x128xf32, #tpu.memory_space<hbm>>, %arg3: memref<32x80x128xi32, #tpu.memory_space<hbm>>, %arg4: memref<32x80x128xi32, #tpu.memory_space<hbm>>, %arg5: memref<2x10240x128xf32, #tpu.memory_space<hbm>>, %arg6: memref<40x128xi32, #tpu.memory_space<vmem>>, %arg7: memref<40x128xi32, #tpu.memory_space<vmem>>, %arg8: memref<128x128xf32, #tpu.memory_space<vmem>>, %arg9: memref<128x128xf32, #tpu.memory_space<vmem>>, %arg10: memref<10240x128xf32, #tpu.memory_space<vmem_shared>>, %arg11: memref<!tpu.dma_semaphore, #tpu.memory_space<semaphore_mem>>, %arg12: memref<!tpu.dma_semaphore, #tpu.memory_space<semaphore_mem>>) attributes {dimension_semantics = [#tpu.dimension_semantics<core_parallel>, #tpu.dimension_semantics<subcore_parallel>], iteration_bounds = array<i64: 2, 16>, scalar_prefetch = 0 : i64, scratch_operands = 7 : i64, tpu.core_type = #tpu.core_type<sc_vector_subcore>, window_params = [{transform_indices = #map}, {transform_indices = #map1}, {transform_indices = #map1}, {transform_indices = #map1}]} {
    %mul3A = arith.constant 16 : i32
    %mul3A_0 = arith.muli %arg0, %mul3A : i32
    %add3A = arith.addi %mul3A_0, %arg1 : i32
    %mul3A_1 = arith.constant 640 : i32
    %mul3A_2 = arith.muli %arg1, %mul3A_1 : i32
    %mul3A_3 = arith.constant 640 : i32
    %mul3A_4 = arith.muli %arg1, %mul3A_3 : i32
    "tpu.region"() ({
      %run_scoped3A_33 = tpu.sem_alloc : memref<!tpu.dma_semaphore, #tpu.memory_space<semaphore_mem>>
      %dma_start3A_34 = arith.constant 0 : i32
      %dma_start3A_35 = tpu.memref_slice %arg10[%mul3A_4, %dma_start3A_34] : memref<10240x128xf32, #tpu.memory_space<vmem_shared>> -> memref<640x128xf32, #tpu.memory_space<vmem_shared>>
      %dma_start3A_36 = arith.constant 0 : i32
      %dma_start3A_37 = tpu.memref_slice %arg2[%mul3A_2, %dma_start3A_36] : memref<10240x128xf32, #tpu.memory_space<hbm>> -> memref<640x128xf32, #tpu.memory_space<hbm>>
      tpu.enqueue_dma source(%dma_start3A_37 : memref<640x128xf32, #tpu.memory_space<hbm>>) target(%dma_start3A_35 : memref<640x128xf32, #tpu.memory_space<vmem_shared>>) target_semaphore(%run_scoped3A_33 : memref<!tpu.dma_semaphore, #tpu.memory_space<semaphore_mem>>)
      %dma_wait3A_38 = arith.constant 0 : i32
      %dma_wait3A_39 = tpu.memref_slice %arg10[%mul3A_4, %dma_wait3A_38] : memref<10240x128xf32, #tpu.memory_space<vmem_shared>> -> memref<640x128xf32, #tpu.memory_space<vmem_shared>>
      %dma_wait3A_40 = arith.constant 0 : i32
      %dma_wait3A_41 = tpu.memref_slice %arg2[%mul3A_2, %dma_wait3A_40] : memref<10240x128xf32, #tpu.memory_space<hbm>> -> memref<640x128xf32, #tpu.memory_space<hbm>>
      tpu.wait_dma2 semaphore(%run_scoped3A_33 : memref<!tpu.dma_semaphore, #tpu.memory_space<semaphore_mem>>) src(%dma_wait3A_41 : memref<640x128xf32, #tpu.memory_space<hbm>>) dst(%dma_wait3A_39 : memref<640x128xf32, #tpu.memory_space<vmem_shared>>)
      tpu.yield
    }) : () -> ()
    %barrier3A = arith.constant 0 : index
    tpu.barrier barrier_id(%barrier3A)
    "tpu.region"() ({
      %run_scoped3A_33 = tpu.sem_alloc : memref<!tpu.dma_semaphore, #tpu.memory_space<semaphore_mem>>
      %dma_start3A_34 = arith.constant 0 : i32
      %dma_start3A_35 = arith.constant 0 : i32
      %dma_start3A_36 = tpu.memref_slice %arg3[%add3A, %dma_start3A_34, %dma_start3A_35] : memref<32x80x128xi32, #tpu.memory_space<hbm>> -> memref<1x40x128xi32, #tpu.memory_space<hbm>>
      %dma_start3A_37 = tpu.memref_squeeze %dma_start3A_36 : memref<1x40x128xi32, #tpu.memory_space<hbm>> -> memref<40x128xi32, #tpu.memory_space<hbm>>
      %dma_start3A_38 = arith.constant 0 : i32
      %dma_start3A_39 = arith.constant 0 : i32
      %dma_start3A_40 = tpu.memref_slice %arg3[%add3A, %dma_start3A_38, %dma_start3A_39] : memref<32x80x128xi32, #tpu.memory_space<hbm>> -> memref<1x40x128xi32, #tpu.memory_space<hbm>>
      %dma_start3A_41 = tpu.memref_squeeze %dma_start3A_40 : memref<1x40x128xi32, #tpu.memory_space<hbm>> -> memref<40x128xi32, #tpu.memory_space<hbm>>
      tpu.enqueue_dma source(%dma_start3A_41 : memref<40x128xi32, #tpu.memory_space<hbm>>) target(%arg6 : memref<40x128xi32, #tpu.memory_space<vmem>>) target_semaphore(%run_scoped3A_33 : memref<!tpu.dma_semaphore, #tpu.memory_space<semaphore_mem>>)
      %dma_wait3A_42 = arith.constant 0 : i32
      %dma_wait3A_43 = arith.constant 0 : i32
      %dma_wait3A_44 = tpu.memref_slice %arg3[%add3A, %dma_wait3A_42, %dma_wait3A_43] : memref<32x80x128xi32, #tpu.memory_space<hbm>> -> memref<1x40x128xi32, #tpu.memory_space<hbm>>
      %dma_wait3A_45 = tpu.memref_squeeze %dma_wait3A_44 : memref<1x40x128xi32, #tpu.memory_space<hbm>> -> memref<40x128xi32, #tpu.memory_space<hbm>>
      %dma_wait3A_46 = arith.constant 0 : i32
      %dma_wait3A_47 = arith.constant 0 : i32
      %dma_wait3A_48 = tpu.memref_slice %arg3[%add3A, %dma_wait3A_46, %dma_wait3A_47] : memref<32x80x128xi32, #tpu.memory_space<hbm>> -> memref<1x40x128xi32, #tpu.memory_space<hbm>>
      %dma_wait3A_49 = tpu.memref_squeeze %dma_wait3A_48 : memref<1x40x128xi32, #tpu.memory_space<hbm>> -> memref<40x128xi32, #tpu.memory_space<hbm>>
      tpu.wait_dma2 semaphore(%run_scoped3A_33 : memref<!tpu.dma_semaphore, #tpu.memory_space<semaphore_mem>>) src(%dma_wait3A_49 : memref<40x128xi32, #tpu.memory_space<hbm>>) dst(%arg6 : memref<40x128xi32, #tpu.memory_space<vmem>>)
      tpu.yield
    }) : () -> ()
    "tpu.region"() ({
      %run_scoped3A_33 = tpu.sem_alloc : memref<!tpu.dma_semaphore, #tpu.memory_space<semaphore_mem>>
      %dma_start3A_34 = arith.constant 0 : i32
      %dma_start3A_35 = arith.constant 0 : i32
      %dma_start3A_36 = tpu.memref_slice %arg4[%add3A, %dma_start3A_34, %dma_start3A_35] : memref<32x80x128xi32, #tpu.memory_space<hbm>> -> memref<1x40x128xi32, #tpu.memory_space<hbm>>
      %dma_start3A_37 = tpu.memref_squeeze %dma_start3A_36 : memref<1x40x128xi32, #tpu.memory_space<hbm>> -> memref<40x128xi32, #tpu.memory_space<hbm>>
      %dma_start3A_38 = arith.constant 0 : i32
      %dma_start3A_39 = arith.constant 0 : i32
      %dma_start3A_40 = tpu.memref_slice %arg4[%add3A, %dma_start3A_38, %dma_start3A_39] : memref<32x80x128xi32, #tpu.memory_space<hbm>> -> memref<1x40x128xi32, #tpu.memory_space<hbm>>
      %dma_start3A_41 = tpu.memref_squeeze %dma_start3A_40 : memref<1x40x128xi32, #tpu.memory_space<hbm>> -> memref<40x128xi32, #tpu.memory_space<hbm>>
      tpu.enqueue_dma source(%dma_start3A_41 : memref<40x128xi32, #tpu.memory_space<hbm>>) target(%arg7 : memref<40x128xi32, #tpu.memory_space<vmem>>) target_semaphore(%run_scoped3A_33 : memref<!tpu.dma_semaphore, #tpu.memory_space<semaphore_mem>>)
      %dma_wait3A_42 = arith.constant 0 : i32
      %dma_wait3A_43 = arith.constant 0 : i32
      %dma_wait3A_44 = tpu.memref_slice %arg4[%add3A, %dma_wait3A_42, %dma_wait3A_43] : memref<32x80x128xi32, #tpu.memory_space<hbm>> -> memref<1x40x128xi32, #tpu.memory_space<hbm>>
      %dma_wait3A_45 = tpu.memref_squeeze %dma_wait3A_44 : memref<1x40x128xi32, #tpu.memory_space<hbm>> -> memref<40x128xi32, #tpu.memory_space<hbm>>
      %dma_wait3A_46 = arith.constant 0 : i32
      %dma_wait3A_47 = arith.constant 0 : i32
      %dma_wait3A_48 = tpu.memref_slice %arg4[%add3A, %dma_wait3A_46, %dma_wait3A_47] : memref<32x80x128xi32, #tpu.memory_space<hbm>> -> memref<1x40x128xi32, #tpu.memory_space<hbm>>
      %dma_wait3A_49 = tpu.memref_squeeze %dma_wait3A_48 : memref<1x40x128xi32, #tpu.memory_space<hbm>> -> memref<40x128xi32, #tpu.memory_space<hbm>>
      tpu.wait_dma2 semaphore(%run_scoped3A_33 : memref<!tpu.dma_semaphore, #tpu.memory_space<semaphore_mem>>) src(%dma_wait3A_49 : memref<40x128xi32, #tpu.memory_space<hbm>>) dst(%arg7 : memref<40x128xi32, #tpu.memory_space<vmem>>)
      tpu.yield
    }) : () -> ()
    %scan3A = arith.constant 0 : i32
    %scan3A_5 = arith.constant 0 : i32
    %scan3A_6 = arith.constant 20 : i32
    %scan3A_7 = arith.addi %scan3A_5, %scan3A_6 : i32
    %scan3A_8 = arith.constant 1 : i32
    scf.for %scan3A_33 = %scan3A_5 to %scan3A_7 step %scan3A_8  : i32 {
      %mul3A_34 = arith.constant 2 : i32
      %mul3A_35 = arith.muli %scan3A_33, %mul3A_34 : i32
      %dma_start3A_36 = arith.constant 0 : i32
      %dma_start3A_37 = tpu.memref_slice %arg6[%mul3A_35, %dma_start3A_36] : memref<40x128xi32, #tpu.memory_space<vmem>> -> memref<1x128xi32, #tpu.memory_space<vmem>>
      %dma_start3A_38 = tpu.memref_squeeze %dma_start3A_37 : memref<1x128xi32, #tpu.memory_space<vmem>> -> memref<128xi32, #tpu.memory_space<vmem>>
      %dma_start3A_39 = arith.constant 0 : i32
      %dma_start3A_40 = arith.constant 0 : i32
      %dma_start3A_41 = tpu.memref_slice %arg2[%dma_start3A_39, %dma_start3A_40] : memref<10240x128xf32, #tpu.memory_space<hbm>> -> memref<10240x128xf32, #tpu.memory_space<hbm>>
      tpu.enqueue_indirect_dma source(%dma_start3A_41 : memref<10240x128xf32, #tpu.memory_space<hbm>>) target(%arg8 : memref<128x128xf32, #tpu.memory_space<vmem>>) offsets(%dma_start3A_38 : memref<128xi32, #tpu.memory_space<vmem>>) semaphore(%arg11 : memref<!tpu.dma_semaphore, #tpu.memory_space<semaphore_mem>>)
      %add3A_42 = arith.constant 1 : i32
      %add3A_43 = arith.addi %mul3A_35, %add3A_42 : i32
      %dma_start3A_44 = arith.constant 0 : i32
      %dma_start3A_45 = tpu.memref_slice %arg6[%add3A_43, %dma_start3A_44] : memref<40x128xi32, #tpu.memory_space<vmem>> -> memref<1x128xi32, #tpu.memory_space<vmem>>
      %dma_start3A_46 = tpu.memref_squeeze %dma_start3A_45 : memref<1x128xi32, #tpu.memory_space<vmem>> -> memref<128xi32, #tpu.memory_space<vmem>>
      %dma_start3A_47 = arith.constant 0 : i32
      %dma_start3A_48 = arith.constant 0 : i32
      %dma_start3A_49 = tpu.memref_slice %arg2[%dma_start3A_47, %dma_start3A_48] : memref<10240x128xf32, #tpu.memory_space<hbm>> -> memref<10240x128xf32, #tpu.memory_space<hbm>>
      tpu.enqueue_indirect_dma source(%dma_start3A_49 : memref<10240x128xf32, #tpu.memory_space<hbm>>) target(%arg9 : memref<128x128xf32, #tpu.memory_space<vmem>>) offsets(%dma_start3A_46 : memref<128xi32, #tpu.memory_space<vmem>>) semaphore(%arg12 : memref<!tpu.dma_semaphore, #tpu.memory_space<semaphore_mem>>)
      %dma_wait3A_50 = arith.constant 0 : i32
      %dma_wait3A_51 = tpu.memref_slice %arg6[%mul3A_35, %dma_wait3A_50] : memref<40x128xi32, #tpu.memory_space<vmem>> -> memref<1x128xi32, #tpu.memory_space<vmem>>
      %dma_wait3A_52 = tpu.memref_squeeze %dma_wait3A_51 : memref<1x128xi32, #tpu.memory_space<vmem>> -> memref<128xi32, #tpu.memory_space<vmem>>
      %dma_wait3A_53 = arith.constant 0 : i32
      %dma_wait3A_54 = arith.constant 0 : i32
      %dma_wait3A_55 = tpu.memref_slice %arg2[%dma_wait3A_53, %dma_wait3A_54] : memref<10240x128xf32, #tpu.memory_space<hbm>> -> memref<10240x128xf32, #tpu.memory_space<hbm>>
      tpu.wait_indirect_dma semaphore(%arg11 : memref<!tpu.dma_semaphore, #tpu.memory_space<semaphore_mem>>) src(%dma_wait3A_55 : memref<10240x128xf32, #tpu.memory_space<hbm>>) dst(%arg8 : memref<128x128xf32, #tpu.memory_space<vmem>>)
      "tpu.region"() ({
        %run_scoped3A_64 = tpu.sem_alloc : memref<!tpu.dma_semaphore, #tpu.memory_space<semaphore_mem>>
        %dma_start3A_65 = arith.constant 0 : i32
        %dma_start3A_66 = tpu.memref_slice %arg7[%mul3A_35, %dma_start3A_65] : memref<40x128xi32, #tpu.memory_space<vmem>> -> memref<1x128xi32, #tpu.memory_space<vmem>>
        %dma_start3A_67 = tpu.memref_squeeze %dma_start3A_66 : memref<1x128xi32, #tpu.memory_space<vmem>> -> memref<128xi32, #tpu.memory_space<vmem>>
        %dma_start3A_68 = arith.constant 0 : i32
        %dma_start3A_69 = arith.constant 0 : i32
        %dma_start3A_70 = tpu.memref_slice %arg10[%dma_start3A_68, %dma_start3A_69] : memref<10240x128xf32, #tpu.memory_space<vmem_shared>> -> memref<10240x128xf32, #tpu.memory_space<vmem_shared>>
        tpu.enqueue_indirect_dma source(%arg8 : memref<128x128xf32, #tpu.memory_space<vmem>>) target(%dma_start3A_70 : memref<10240x128xf32, #tpu.memory_space<vmem_shared>>) offsets(%dma_start3A_67 : memref<128xi32, #tpu.memory_space<vmem>>) semaphore(%run_scoped3A_64 : memref<!tpu.dma_semaphore, #tpu.memory_space<semaphore_mem>>) {add = true}
        %dma_wait3A_71 = arith.constant 0 : i32
        %dma_wait3A_72 = tpu.memref_slice %arg7[%mul3A_35, %dma_wait3A_71] : memref<40x128xi32, #tpu.memory_space<vmem>> -> memref<1x128xi32, #tpu.memory_space<vmem>>
        %dma_wait3A_73 = tpu.memref_squeeze %dma_wait3A_72 : memref<1x128xi32, #tpu.memory_space<vmem>> -> memref<128xi32, #tpu.memory_space<vmem>>
        %dma_wait3A_74 = arith.constant 0 : i32
        %dma_wait3A_75 = arith.constant 0 : i32
        %dma_wait3A_76 = tpu.memref_slice %arg10[%dma_wait3A_74, %dma_wait3A_75] : memref<10240x128xf32, #tpu.memory_space<vmem_shared>> -> memref<10240x128xf32, #tpu.memory_space<vmem_shared>>
        tpu.wait_indirect_dma semaphore(%run_scoped3A_64 : memref<!tpu.dma_semaphore, #tpu.memory_space<semaphore_mem>>) src(%arg8 : memref<128x128xf32, #tpu.memory_space<vmem>>) dst(%dma_wait3A_76 : memref<10240x128xf32, #tpu.memory_space<vmem_shared>>)
        tpu.yield
      }) : () -> ()
      %dma_wait3A_56 = arith.constant 0 : i32
      %dma_wait3A_57 = tpu.memref_slice %arg6[%add3A_43, %dma_wait3A_56] : memref<40x128xi32, #tpu.memory_space<vmem>> -> memref<1x128xi32, #tpu.memory_space<vmem>>
      %dma_wait3A_58 = tpu.memref_squeeze %dma_wait3A_57 : memref<1x128xi32, #tpu.memory_space<vmem>> -> memref<128xi32, #tpu.memory_space<vmem>>
      %dma_wait3A_59 = arith.constant 0 : i32
      %dma_wait3A_60 = arith.constant 0 : i32
      %dma_wait3A_61 = tpu.memref_slice %arg2[%dma_wait3A_59, %dma_wait3A_60] : memref<10240x128xf32, #tpu.memory_space<hbm>> -> memref<10240x128xf32, #tpu.memory_space<hbm>>
      tpu.wait_indirect_dma semaphore(%arg12 : memref<!tpu.dma_semaphore, #tpu.memory_space<semaphore_mem>>) src(%dma_wait3A_61 : memref<10240x128xf32, #tpu.memory_space<hbm>>) dst(%arg9 : memref<128x128xf32, #tpu.memory_space<vmem>>)
      %add3A_62 = arith.constant 1 : i32
      %add3A_63 = arith.addi %mul3A_35, %add3A_62 : i32
      "tpu.region"() ({
        %run_scoped3A_64 = tpu.sem_alloc : memref<!tpu.dma_semaphore, #tpu.memory_space<semaphore_mem>>
        %dma_start3A_65 = arith.constant 0 : i32
        %dma_start3A_66 = tpu.memref_slice %arg7[%add3A_63, %dma_start3A_65] : memref<40x128xi32, #tpu.memory_space<vmem>> -> memref<1x128xi32, #tpu.memory_space<vmem>>
        %dma_start3A_67 = tpu.memref_squeeze %dma_start3A_66 : memref<1x128xi32, #tpu.memory_space<vmem>> -> memref<128xi32, #tpu.memory_space<vmem>>
        %dma_start3A_68 = arith.constant 0 : i32
        %dma_start3A_69 = arith.constant 0 : i32
        %dma_start3A_70 = tpu.memref_slice %arg10[%dma_start3A_68, %dma_start3A_69] : memref<10240x128xf32, #tpu.memory_space<vmem_shared>> -> memref<10240x128xf32, #tpu.memory_space<vmem_shared>>
        tpu.enqueue_indirect_dma source(%arg9 : memref<128x128xf32, #tpu.memory_space<vmem>>) target(%dma_start3A_70 : memref<10240x128xf32, #tpu.memory_space<vmem_shared>>) offsets(%dma_start3A_67 : memref<128xi32, #tpu.memory_space<vmem>>) semaphore(%run_scoped3A_64 : memref<!tpu.dma_semaphore, #tpu.memory_space<semaphore_mem>>) {add = true}
        %dma_wait3A_71 = arith.constant 0 : i32
        %dma_wait3A_72 = tpu.memref_slice %arg7[%add3A_63, %dma_wait3A_71] : memref<40x128xi32, #tpu.memory_space<vmem>> -> memref<1x128xi32, #tpu.memory_space<vmem>>
        %dma_wait3A_73 = tpu.memref_squeeze %dma_wait3A_72 : memref<1x128xi32, #tpu.memory_space<vmem>> -> memref<128xi32, #tpu.memory_space<vmem>>
        %dma_wait3A_74 = arith.constant 0 : i32
        %dma_wait3A_75 = arith.constant 0 : i32
        %dma_wait3A_76 = tpu.memref_slice %arg10[%dma_wait3A_74, %dma_wait3A_75] : memref<10240x128xf32, #tpu.memory_space<vmem_shared>> -> memref<10240x128xf32, #tpu.memory_space<vmem_shared>>
        tpu.wait_indirect_dma semaphore(%run_scoped3A_64 : memref<!tpu.dma_semaphore, #tpu.memory_space<semaphore_mem>>) src(%arg9 : memref<128x128xf32, #tpu.memory_space<vmem>>) dst(%dma_wait3A_76 : memref<10240x128xf32, #tpu.memory_space<vmem_shared>>)
        tpu.yield
      }) : () -> ()
    }
    %scan3A_9 = arith.constant 20 : i32
    "tpu.region"() ({
      %run_scoped3A_33 = tpu.sem_alloc : memref<!tpu.dma_semaphore, #tpu.memory_space<semaphore_mem>>
      %dma_start3A_34 = arith.constant 40 : i32
      %dma_start3A_35 = arith.constant 0 : i32
      %dma_start3A_36 = tpu.memref_slice %arg3[%add3A, %dma_start3A_34, %dma_start3A_35] : memref<32x80x128xi32, #tpu.memory_space<hbm>> -> memref<1x40x128xi32, #tpu.memory_space<hbm>>
      %dma_start3A_37 = tpu.memref_squeeze %dma_start3A_36 : memref<1x40x128xi32, #tpu.memory_space<hbm>> -> memref<40x128xi32, #tpu.memory_space<hbm>>
      %dma_start3A_38 = arith.constant 40 : i32
      %dma_start3A_39 = arith.constant 0 : i32
      %dma_start3A_40 = tpu.memref_slice %arg3[%add3A, %dma_start3A_38, %dma_start3A_39] : memref<32x80x128xi32, #tpu.memory_space<hbm>> -> memref<1x40x128xi32, #tpu.memory_space<hbm>>
      %dma_start3A_41 = tpu.memref_squeeze %dma_start3A_40 : memref<1x40x128xi32, #tpu.memory_space<hbm>> -> memref<40x128xi32, #tpu.memory_space<hbm>>
      tpu.enqueue_dma source(%dma_start3A_41 : memref<40x128xi32, #tpu.memory_space<hbm>>) target(%arg6 : memref<40x128xi32, #tpu.memory_space<vmem>>) target_semaphore(%run_scoped3A_33 : memref<!tpu.dma_semaphore, #tpu.memory_space<semaphore_mem>>)
      %dma_wait3A_42 = arith.constant 40 : i32
      %dma_wait3A_43 = arith.constant 0 : i32
      %dma_wait3A_44 = tpu.memref_slice %arg3[%add3A, %dma_wait3A_42, %dma_wait3A_43] : memref<32x80x128xi32, #tpu.memory_space<hbm>> -> memref<1x40x128xi32, #tpu.memory_space<hbm>>
      %dma_wait3A_45 = tpu.memref_squeeze %dma_wait3A_44 : memref<1x40x128xi32, #tpu.memory_space<hbm>> -> memref<40x128xi32, #tpu.memory_space<hbm>>
      %dma_wait3A_46 = arith.constant 40 : i32
      %dma_wait3A_47 = arith.constant 0 : i32
      %dma_wait3A_48 = tpu.memref_slice %arg3[%add3A, %dma_wait3A_46, %dma_wait3A_47] : memref<32x80x128xi32, #tpu.memory_space<hbm>> -> memref<1x40x128xi32, #tpu.memory_space<hbm>>
      %dma_wait3A_49 = tpu.memref_squeeze %dma_wait3A_48 : memref<1x40x128xi32, #tpu.memory_space<hbm>> -> memref<40x128xi32, #tpu.memory_space<hbm>>
      tpu.wait_dma2 semaphore(%run_scoped3A_33 : memref<!tpu.dma_semaphore, #tpu.memory_space<semaphore_mem>>) src(%dma_wait3A_49 : memref<40x128xi32, #tpu.memory_space<hbm>>) dst(%arg6 : memref<40x128xi32, #tpu.memory_space<vmem>>)
      tpu.yield
    }) : () -> ()
    "tpu.region"() ({
      %run_scoped3A_33 = tpu.sem_alloc : memref<!tpu.dma_semaphore, #tpu.memory_space<semaphore_mem>>
      %dma_start3A_34 = arith.constant 40 : i32
      %dma_start3A_35 = arith.constant 0 : i32
      %dma_start3A_36 = tpu.memref_slice %arg4[%add3A, %dma_start3A_34, %dma_start3A_35] : memref<32x80x128xi32, #tpu.memory_space<hbm>> -> memref<1x40x128xi32, #tpu.memory_space<hbm>>
      %dma_start3A_37 = tpu.memref_squeeze %dma_start3A_36 : memref<1x40x128xi32, #tpu.memory_space<hbm>> -> memref<40x128xi32, #tpu.memory_space<hbm>>
      %dma_start3A_38 = arith.constant 40 : i32
      %dma_start3A_39 = arith.constant 0 : i32
      %dma_start3A_40 = tpu.memref_slice %arg4[%add3A, %dma_start3A_38, %dma_start3A_39] : memref<32x80x128xi32, #tpu.memory_space<hbm>> -> memref<1x40x128xi32, #tpu.memory_space<hbm>>
      %dma_start3A_41 = tpu.memref_squeeze %dma_start3A_40 : memref<1x40x128xi32, #tpu.memory_space<hbm>> -> memref<40x128xi32, #tpu.memory_space<hbm>>
      tpu.enqueue_dma source(%dma_start3A_41 : memref<40x128xi32, #tpu.memory_space<hbm>>) target(%arg7 : memref<40x128xi32, #tpu.memory_space<vmem>>) target_semaphore(%run_scoped3A_33 : memref<!tpu.dma_semaphore, #tpu.memory_space<semaphore_mem>>)
      %dma_wait3A_42 = arith.constant 40 : i32
      %dma_wait3A_43 = arith.constant 0 : i32
      %dma_wait3A_44 = tpu.memref_slice %arg4[%add3A, %dma_wait3A_42, %dma_wait3A_43] : memref<32x80x128xi32, #tpu.memory_space<hbm>> -> memref<1x40x128xi32, #tpu.memory_space<hbm>>
      %dma_wait3A_45 = tpu.memref_squeeze %dma_wait3A_44 : memref<1x40x128xi32, #tpu.memory_space<hbm>> -> memref<40x128xi32, #tpu.memory_space<hbm>>
      %dma_wait3A_46 = arith.constant 40 : i32
      %dma_wait3A_47 = arith.constant 0 : i32
      %dma_wait3A_48 = tpu.memref_slice %arg4[%add3A, %dma_wait3A_46, %dma_wait3A_47] : memref<32x80x128xi32, #tpu.memory_space<hbm>> -> memref<1x40x128xi32, #tpu.memory_space<hbm>>
      %dma_wait3A_49 = tpu.memref_squeeze %dma_wait3A_48 : memref<1x40x128xi32, #tpu.memory_space<hbm>> -> memref<40x128xi32, #tpu.memory_space<hbm>>
      tpu.wait_dma2 semaphore(%run_scoped3A_33 : memref<!tpu.dma_semaphore, #tpu.memory_space<semaphore_mem>>) src(%dma_wait3A_49 : memref<40x128xi32, #tpu.memory_space<hbm>>) dst(%arg7 : memref<40x128xi32, #tpu.memory_space<vmem>>)
      tpu.yield
    }) : () -> ()
    %scan3A_10 = arith.constant 0 : i32
    %scan3A_11 = arith.constant 0 : i32
    %scan3A_12 = arith.constant 19 : i32
    %scan3A_13 = arith.addi %scan3A_11, %scan3A_12 : i32
    %scan3A_14 = arith.constant 1 : i32
    scf.for %scan3A_33 = %scan3A_11 to %scan3A_13 step %scan3A_14  : i32 {
      %mul3A_34 = arith.constant 2 : i32
      %mul3A_35 = arith.muli %scan3A_33, %mul3A_34 : i32
      %dma_start3A_36 = arith.constant 0 : i32
      %dma_start3A_37 = tpu.memref_slice %arg6[%mul3A_35, %dma_start3A_36] : memref<40x128xi32, #tpu.memory_space<vmem>> -> memref<1x128xi32, #tpu.memory_space<vmem>>
      %dma_start3A_38 = tpu.memref_squeeze %dma_start3A_37 : memref<1x128xi32, #tpu.memory_space<vmem>> -> memref<128xi32, #tpu.memory_space<vmem>>
      %dma_start3A_39 = arith.constant 0 : i32
      %dma_start3A_40 = arith.constant 0 : i32
      %dma_start3A_41 = tpu.memref_slice %arg2[%dma_start3A_39, %dma_start3A_40] : memref<10240x128xf32, #tpu.memory_space<hbm>> -> memref<10240x128xf32, #tpu.memory_space<hbm>>
      tpu.enqueue_indirect_dma source(%dma_start3A_41 : memref<10240x128xf32, #tpu.memory_space<hbm>>) target(%arg8 : memref<128x128xf32, #tpu.memory_space<vmem>>) offsets(%dma_start3A_38 : memref<128xi32, #tpu.memory_space<vmem>>) semaphore(%arg11 : memref<!tpu.dma_semaphore, #tpu.memory_space<semaphore_mem>>)
      %add3A_42 = arith.constant 1 : i32
      %add3A_43 = arith.addi %mul3A_35, %add3A_42 : i32
      %dma_start3A_44 = arith.constant 0 : i32
      %dma_start3A_45 = tpu.memref_slice %arg6[%add3A_43, %dma_start3A_44] : memref<40x128xi32, #tpu.memory_space<vmem>> -> memref<1x128xi32, #tpu.memory_space<vmem>>
      %dma_start3A_46 = tpu.memref_squeeze %dma_start3A_45 : memref<1x128xi32, #tpu.memory_space<vmem>> -> memref<128xi32, #tpu.memory_space<vmem>>
      %dma_start3A_47 = arith.constant 0 : i32
      %dma_start3A_48 = arith.constant 0 : i32
      %dma_start3A_49 = tpu.memref_slice %arg2[%dma_start3A_47, %dma_start3A_48] : memref<10240x128xf32, #tpu.memory_space<hbm>> -> memref<10240x128xf32, #tpu.memory_space<hbm>>
      tpu.enqueue_indirect_dma source(%dma_start3A_49 : memref<10240x128xf32, #tpu.memory_space<hbm>>) target(%arg9 : memref<128x128xf32, #tpu.memory_space<vmem>>) offsets(%dma_start3A_46 : memref<128xi32, #tpu.memory_space<vmem>>) semaphore(%arg12 : memref<!tpu.dma_semaphore, #tpu.memory_space<semaphore_mem>>)
      %dma_wait3A_50 = arith.constant 0 : i32
      %dma_wait3A_51 = tpu.memref_slice %arg6[%mul3A_35, %dma_wait3A_50] : memref<40x128xi32, #tpu.memory_space<vmem>> -> memref<1x128xi32, #tpu.memory_space<vmem>>
      %dma_wait3A_52 = tpu.memref_squeeze %dma_wait3A_51 : memref<1x128xi32, #tpu.memory_space<vmem>> -> memref<128xi32, #tpu.memory_space<vmem>>
      %dma_wait3A_53 = arith.constant 0 : i32
      %dma_wait3A_54 = arith.constant 0 : i32
      %dma_wait3A_55 = tpu.memref_slice %arg2[%dma_wait3A_53, %dma_wait3A_54] : memref<10240x128xf32, #tpu.memory_space<hbm>> -> memref<10240x128xf32, #tpu.memory_space<hbm>>
      tpu.wait_indirect_dma semaphore(%arg11 : memref<!tpu.dma_semaphore, #tpu.memory_space<semaphore_mem>>) src(%dma_wait3A_55 : memref<10240x128xf32, #tpu.memory_space<hbm>>) dst(%arg8 : memref<128x128xf32, #tpu.memory_space<vmem>>)
      "tpu.region"() ({
        %run_scoped3A_64 = tpu.sem_alloc : memref<!tpu.dma_semaphore, #tpu.memory_space<semaphore_mem>>
        %dma_start3A_65 = arith.constant 0 : i32
        %dma_start3A_66 = tpu.memref_slice %arg7[%mul3A_35, %dma_start3A_65] : memref<40x128xi32, #tpu.memory_space<vmem>> -> memref<1x128xi32, #tpu.memory_space<vmem>>
        %dma_start3A_67 = tpu.memref_squeeze %dma_start3A_66 : memref<1x128xi32, #tpu.memory_space<vmem>> -> memref<128xi32, #tpu.memory_space<vmem>>
        %dma_start3A_68 = arith.constant 0 : i32
        %dma_start3A_69 = arith.constant 0 : i32
        %dma_start3A_70 = tpu.memref_slice %arg10[%dma_start3A_68, %dma_start3A_69] : memref<10240x128xf32, #tpu.memory_space<vmem_shared>> -> memref<10240x128xf32, #tpu.memory_space<vmem_shared>>
        tpu.enqueue_indirect_dma source(%arg8 : memref<128x128xf32, #tpu.memory_space<vmem>>) target(%dma_start3A_70 : memref<10240x128xf32, #tpu.memory_space<vmem_shared>>) offsets(%dma_start3A_67 : memref<128xi32, #tpu.memory_space<vmem>>) semaphore(%run_scoped3A_64 : memref<!tpu.dma_semaphore, #tpu.memory_space<semaphore_mem>>) {add = true}
        %dma_wait3A_71 = arith.constant 0 : i32
        %dma_wait3A_72 = tpu.memref_slice %arg7[%mul3A_35, %dma_wait3A_71] : memref<40x128xi32, #tpu.memory_space<vmem>> -> memref<1x128xi32, #tpu.memory_space<vmem>>
        %dma_wait3A_73 = tpu.memref_squeeze %dma_wait3A_72 : memref<1x128xi32, #tpu.memory_space<vmem>> -> memref<128xi32, #tpu.memory_space<vmem>>
        %dma_wait3A_74 = arith.constant 0 : i32
        %dma_wait3A_75 = arith.constant 0 : i32
        %dma_wait3A_76 = tpu.memref_slice %arg10[%dma_wait3A_74, %dma_wait3A_75] : memref<10240x128xf32, #tpu.memory_space<vmem_shared>> -> memref<10240x128xf32, #tpu.memory_space<vmem_shared>>
        tpu.wait_indirect_dma semaphore(%run_scoped3A_64 : memref<!tpu.dma_semaphore, #tpu.memory_space<semaphore_mem>>) src(%arg8 : memref<128x128xf32, #tpu.memory_space<vmem>>) dst(%dma_wait3A_76 : memref<10240x128xf32, #tpu.memory_space<vmem_shared>>)
        tpu.yield
      }) : () -> ()
      %dma_wait3A_56 = arith.constant 0 : i32
      %dma_wait3A_57 = tpu.memref_slice %arg6[%add3A_43, %dma_wait3A_56] : memref<40x128xi32, #tpu.memory_space<vmem>> -> memref<1x128xi32, #tpu.memory_space<vmem>>
      %dma_wait3A_58 = tpu.memref_squeeze %dma_wait3A_57 : memref<1x128xi32, #tpu.memory_space<vmem>> -> memref<128xi32, #tpu.memory_space<vmem>>
      %dma_wait3A_59 = arith.constant 0 : i32
      %dma_wait3A_60 = arith.constant 0 : i32
      %dma_wait3A_61 = tpu.memref_slice %arg2[%dma_wait3A_59, %dma_wait3A_60] : memref<10240x128xf32, #tpu.memory_space<hbm>> -> memref<10240x128xf32, #tpu.memory_space<hbm>>
      tpu.wait_indirect_dma semaphore(%arg12 : memref<!tpu.dma_semaphore, #tpu.memory_space<semaphore_mem>>) src(%dma_wait3A_61 : memref<10240x128xf32, #tpu.memory_space<hbm>>) dst(%arg9 : memref<128x128xf32, #tpu.memory_space<vmem>>)
      %add3A_62 = arith.constant 1 : i32
      %add3A_63 = arith.addi %mul3A_35, %add3A_62 : i32
      "tpu.region"() ({
        %run_scoped3A_64 = tpu.sem_alloc : memref<!tpu.dma_semaphore, #tpu.memory_space<semaphore_mem>>
        %dma_start3A_65 = arith.constant 0 : i32
        %dma_start3A_66 = tpu.memref_slice %arg7[%add3A_63, %dma_start3A_65] : memref<40x128xi32, #tpu.memory_space<vmem>> -> memref<1x128xi32, #tpu.memory_space<vmem>>
        %dma_start3A_67 = tpu.memref_squeeze %dma_start3A_66 : memref<1x128xi32, #tpu.memory_space<vmem>> -> memref<128xi32, #tpu.memory_space<vmem>>
        %dma_start3A_68 = arith.constant 0 : i32
        %dma_start3A_69 = arith.constant 0 : i32
        %dma_start3A_70 = tpu.memref_slice %arg10[%dma_start3A_68, %dma_start3A_69] : memref<10240x128xf32, #tpu.memory_space<vmem_shared>> -> memref<10240x128xf32, #tpu.memory_space<vmem_shared>>
        tpu.enqueue_indirect_dma source(%arg9 : memref<128x128xf32, #tpu.memory_space<vmem>>) target(%dma_start3A_70 : memref<10240x128xf32, #tpu.memory_space<vmem_shared>>) offsets(%dma_start3A_67 : memref<128xi32, #tpu.memory_space<vmem>>) semaphore(%run_scoped3A_64 : memref<!tpu.dma_semaphore, #tpu.memory_space<semaphore_mem>>) {add = true}
        %dma_wait3A_71 = arith.constant 0 : i32
        %dma_wait3A_72 = tpu.memref_slice %arg7[%add3A_63, %dma_wait3A_71] : memref<40x128xi32, #tpu.memory_space<vmem>> -> memref<1x128xi32, #tpu.memory_space<vmem>>
        %dma_wait3A_73 = tpu.memref_squeeze %dma_wait3A_72 : memref<1x128xi32, #tpu.memory_space<vmem>> -> memref<128xi32, #tpu.memory_space<vmem>>
        %dma_wait3A_74 = arith.constant 0 : i32
        %dma_wait3A_75 = arith.constant 0 : i32
        %dma_wait3A_76 = tpu.memref_slice %arg10[%dma_wait3A_74, %dma_wait3A_75] : memref<10240x128xf32, #tpu.memory_space<vmem_shared>> -> memref<10240x128xf32, #tpu.memory_space<vmem_shared>>
        tpu.wait_indirect_dma semaphore(%run_scoped3A_64 : memref<!tpu.dma_semaphore, #tpu.memory_space<semaphore_mem>>) src(%arg9 : memref<128x128xf32, #tpu.memory_space<vmem>>) dst(%dma_wait3A_76 : memref<10240x128xf32, #tpu.memory_space<vmem_shared>>)
        tpu.yield
      }) : () -> ()
    }
    %scan3A_15 = arith.constant 19 : i32
    %dma_start3A = arith.constant 38 : i32
    %dma_start3A_16 = arith.constant 0 : i32
    %dma_start3A_17 = tpu.memref_slice %arg6[%dma_start3A, %dma_start3A_16] : memref<40x128xi32, #tpu.memory_space<vmem>> -> memref<1x128xi32, #tpu.memory_space<vmem>>
    %dma_start3A_18 = tpu.memref_squeeze %dma_start3A_17 : memref<1x128xi32, #tpu.memory_space<vmem>> -> memref<128xi32, #tpu.memory_space<vmem>>
    %dma_start3A_19 = arith.constant 0 : i32
    %dma_start3A_20 = arith.constant 0 : i32
    %dma_start3A_21 = tpu.memref_slice %arg2[%dma_start3A_19, %dma_start3A_20] : memref<10240x128xf32, #tpu.memory_space<hbm>> -> memref<10240x128xf32, #tpu.memory_space<hbm>>
    tpu.enqueue_indirect_dma source(%dma_start3A_21 : memref<10240x128xf32, #tpu.memory_space<hbm>>) target(%arg8 : memref<128x128xf32, #tpu.memory_space<vmem>>) offsets(%dma_start3A_18 : memref<128xi32, #tpu.memory_space<vmem>>) semaphore(%arg11 : memref<!tpu.dma_semaphore, #tpu.memory_space<semaphore_mem>>)
    %dma_wait3A = arith.constant 38 : i32
    %dma_wait3A_22 = arith.constant 0 : i32
    %dma_wait3A_23 = tpu.memref_slice %arg6[%dma_wait3A, %dma_wait3A_22] : memref<40x128xi32, #tpu.memory_space<vmem>> -> memref<1x128xi32, #tpu.memory_space<vmem>>
    %dma_wait3A_24 = tpu.memref_squeeze %dma_wait3A_23 : memref<1x128xi32, #tpu.memory_space<vmem>> -> memref<128xi32, #tpu.memory_space<vmem>>
    %dma_wait3A_25 = arith.constant 0 : i32
    %dma_wait3A_26 = arith.constant 0 : i32
    %dma_wait3A_27 = tpu.memref_slice %arg2[%dma_wait3A_25, %dma_wait3A_26] : memref<10240x128xf32, #tpu.memory_space<hbm>> -> memref<10240x128xf32, #tpu.memory_space<hbm>>
    tpu.wait_indirect_dma semaphore(%arg11 : memref<!tpu.dma_semaphore, #tpu.memory_space<semaphore_mem>>) src(%dma_wait3A_27 : memref<10240x128xf32, #tpu.memory_space<hbm>>) dst(%arg8 : memref<128x128xf32, #tpu.memory_space<vmem>>)
    %run_scoped3A = arith.constant 38 : i32
    "tpu.region"() ({
      %run_scoped3A_33 = tpu.sem_alloc : memref<!tpu.dma_semaphore, #tpu.memory_space<semaphore_mem>>
      %dma_start3A_34 = arith.constant 0 : i32
      %dma_start3A_35 = tpu.memref_slice %arg7[%run_scoped3A, %dma_start3A_34] : memref<40x128xi32, #tpu.memory_space<vmem>> -> memref<1x128xi32, #tpu.memory_space<vmem>>
      %dma_start3A_36 = tpu.memref_squeeze %dma_start3A_35 : memref<1x128xi32, #tpu.memory_space<vmem>> -> memref<128xi32, #tpu.memory_space<vmem>>
      %dma_start3A_37 = arith.constant 0 : i32
      %dma_start3A_38 = arith.constant 0 : i32
      %dma_start3A_39 = tpu.memref_slice %arg10[%dma_start3A_37, %dma_start3A_38] : memref<10240x128xf32, #tpu.memory_space<vmem_shared>> -> memref<10240x128xf32, #tpu.memory_space<vmem_shared>>
      tpu.enqueue_indirect_dma source(%arg8 : memref<128x128xf32, #tpu.memory_space<vmem>>) target(%dma_start3A_39 : memref<10240x128xf32, #tpu.memory_space<vmem_shared>>) offsets(%dma_start3A_36 : memref<128xi32, #tpu.memory_space<vmem>>) semaphore(%run_scoped3A_33 : memref<!tpu.dma_semaphore, #tpu.memory_space<semaphore_mem>>) {add = true}
      %dma_wait3A_40 = arith.constant 0 : i32
      %dma_wait3A_41 = tpu.memref_slice %arg7[%run_scoped3A, %dma_wait3A_40] : memref<40x128xi32, #tpu.memory_space<vmem>> -> memref<1x128xi32, #tpu.memory_space<vmem>>
      %dma_wait3A_42 = tpu.memref_squeeze %dma_wait3A_41 : memref<1x128xi32, #tpu.memory_space<vmem>> -> memref<128xi32, #tpu.memory_space<vmem>>
      %dma_wait3A_43 = arith.constant 0 : i32
      %dma_wait3A_44 = arith.constant 0 : i32
      %dma_wait3A_45 = tpu.memref_slice %arg10[%dma_wait3A_43, %dma_wait3A_44] : memref<10240x128xf32, #tpu.memory_space<vmem_shared>> -> memref<10240x128xf32, #tpu.memory_space<vmem_shared>>
      tpu.wait_indirect_dma semaphore(%run_scoped3A_33 : memref<!tpu.dma_semaphore, #tpu.memory_space<semaphore_mem>>) src(%arg8 : memref<128x128xf32, #tpu.memory_space<vmem>>) dst(%dma_wait3A_45 : memref<10240x128xf32, #tpu.memory_space<vmem_shared>>)
      tpu.yield
    }) : () -> ()
    %barrier3A_28 = arith.constant 0 : index
    tpu.barrier barrier_id(%barrier3A_28)
    %mul3A_29 = arith.constant 640 : i32
    %mul3A_30 = arith.muli %arg1, %mul3A_29 : i32
    %mul3A_31 = arith.constant 640 : i32
    %mul3A_32 = arith.muli %arg1, %mul3A_31 : i32
    "tpu.region"() ({
      %run_scoped3A_33 = tpu.sem_alloc : memref<!tpu.dma_semaphore, #tpu.memory_space<semaphore_mem>>
      %dma_start3A_34 = arith.constant 0 : i32
      %dma_start3A_35 = tpu.memref_slice %arg5[%arg0, %mul3A_32, %dma_start3A_34] : memref<2x10240x128xf32, #tpu.memory_space<hbm>> -> memref<1x640x128xf32, #tpu.memory_space<hbm>>
      %dma_start3A_36 = tpu.memref_squeeze %dma_start3A_35 : memref<1x640x128xf32, #tpu.memory_space<hbm>> -> memref<640x128xf32, #tpu.memory_space<hbm>>
      %dma_start3A_37 = arith.constant 0 : i32
      %dma_start3A_38 = tpu.memref_slice %arg10[%mul3A_30, %dma_start3A_37] : memref<10240x128xf32, #tpu.memory_space<vmem_shared>> -> memref<640x128xf32, #tpu.memory_space<vmem_shared>>
      tpu.enqueue_dma source(%dma_start3A_38 : memref<640x128xf32, #tpu.memory_space<vmem_shared>>) target(%dma_start3A_36 : memref<640x128xf32, #tpu.memory_space<hbm>>) target_semaphore(%run_scoped3A_33 : memref<!tpu.dma_semaphore, #tpu.memory_space<semaphore_mem>>)
      %dma_wait3A_39 = arith.constant 0 : i32
      %dma_wait3A_40 = tpu.memref_slice %arg5[%arg0, %mul3A_32, %dma_wait3A_39] : memref<2x10240x128xf32, #tpu.memory_space<hbm>> -> memref<1x640x128xf32, #tpu.memory_space<hbm>>
      %dma_wait3A_41 = tpu.memref_squeeze %dma_wait3A_40 : memref<1x640x128xf32, #tpu.memory_space<hbm>> -> memref<640x128xf32, #tpu.memory_space<hbm>>
      %dma_wait3A_42 = arith.constant 0 : i32
      %dma_wait3A_43 = tpu.memref_slice %arg10[%mul3A_30, %dma_wait3A_42] : memref<10240x128xf32, #tpu.memory_space<vmem_shared>> -> memref<640x128xf32, #tpu.memory_space<vmem_shared>>
      tpu.wait_dma2 semaphore(%run_scoped3A_33 : memref<!tpu.dma_semaphore, #tpu.memory_space<semaphore_mem>>) src(%dma_wait3A_43 : memref<640x128xf32, #tpu.memory_space<vmem_shared>>) dst(%dma_wait3A_41 : memref<640x128xf32, #tpu.memory_space<hbm>>)
      tpu.yield
    }) : () -> ()
    return
  }
}

#map = affine_map<(d0, d1) -> (0, 0)>
#map1 = affine_map<(d0, d1) -> (0, 0, 0)>
module attributes {stable_mosaic.version = 14 : i64} {
  func.func @_agg_kernel(%arg0: i32, %arg1: i32, %arg2: memref<10240x128xf32, #tpu.memory_space<hbm>>, %arg3: memref<32x80x128xi32, #tpu.memory_space<hbm>>, %arg4: memref<32x80x128xi32, #tpu.memory_space<hbm>>, %arg5: memref<2x10240x128xf32, #tpu.memory_space<hbm>>, %arg6: memref<40x128xi32, #tpu.memory_space<vmem>>, %arg7: memref<40x128xi32, #tpu.memory_space<vmem>>, %arg8: memref<128x128xf32, #tpu.memory_space<vmem>>, %arg9: memref<128x128xf32, #tpu.memory_space<vmem>>, %arg10: memref<10240x128xf32, #tpu.memory_space<vmem_shared>>, %arg11: memref<!tpu.dma_semaphore, #tpu.memory_space<semaphore_mem>>, %arg12: memref<!tpu.dma_semaphore, #tpu.memory_space<semaphore_mem>>) attributes {dimension_semantics = [#tpu.dimension_semantics<core_parallel>, #tpu.dimension_semantics<subcore_parallel>], iteration_bounds = array<i64: 2, 16>, scalar_prefetch = 0 : i64, scratch_operands = 7 : i64, tpu.core_type = #tpu.core_type<sc_vector_subcore>, window_params = [{transform_indices = #map}, {transform_indices = #map1}, {transform_indices = #map1}, {transform_indices = #map1}]} {
    %mul3A = arith.constant 16 : i32
    %mul3A_0 = arith.muli %arg0, %mul3A : i32
    %add3A = arith.addi %mul3A_0, %arg1 : i32
    %mul3A_1 = arith.constant 640 : i32
    %mul3A_2 = arith.muli %arg1, %mul3A_1 : i32
    %mul3A_3 = arith.constant 640 : i32
    %mul3A_4 = arith.muli %arg1, %mul3A_3 : i32
    "tpu.region"() ({
      %run_scoped3A_33 = tpu.sem_alloc : memref<!tpu.dma_semaphore, #tpu.memory_space<semaphore_mem>>
      %dma_start3A_34 = arith.constant 0 : i32
      %dma_start3A_35 = tpu.memref_slice %arg10[%mul3A_4, %dma_start3A_34] : memref<10240x128xf32, #tpu.memory_space<vmem_shared>> -> memref<640x128xf32, #tpu.memory_space<vmem_shared>>
      %dma_start3A_36 = arith.constant 0 : i32
      %dma_start3A_37 = tpu.memref_slice %arg2[%mul3A_2, %dma_start3A_36] : memref<10240x128xf32, #tpu.memory_space<hbm>> -> memref<640x128xf32, #tpu.memory_space<hbm>>
      tpu.enqueue_dma source(%dma_start3A_37 : memref<640x128xf32, #tpu.memory_space<hbm>>) target(%dma_start3A_35 : memref<640x128xf32, #tpu.memory_space<vmem_shared>>) target_semaphore(%run_scoped3A_33 : memref<!tpu.dma_semaphore, #tpu.memory_space<semaphore_mem>>)
      %dma_wait3A_38 = arith.constant 0 : i32
      %dma_wait3A_39 = tpu.memref_slice %arg10[%mul3A_4, %dma_wait3A_38] : memref<10240x128xf32, #tpu.memory_space<vmem_shared>> -> memref<640x128xf32, #tpu.memory_space<vmem_shared>>
      %dma_wait3A_40 = arith.constant 0 : i32
      %dma_wait3A_41 = tpu.memref_slice %arg2[%mul3A_2, %dma_wait3A_40] : memref<10240x128xf32, #tpu.memory_space<hbm>> -> memref<640x128xf32, #tpu.memory_space<hbm>>
      tpu.wait_dma2 semaphore(%run_scoped3A_33 : memref<!tpu.dma_semaphore, #tpu.memory_space<semaphore_mem>>) src(%dma_wait3A_41 : memref<640x128xf32, #tpu.memory_space<hbm>>) dst(%dma_wait3A_39 : memref<640x128xf32, #tpu.memory_space<vmem_shared>>)
      tpu.yield
    }) : () -> ()
    %barrier3A = arith.constant 0 : index
    tpu.barrier barrier_id(%barrier3A)
    "tpu.region"() ({
      %run_scoped3A_33 = tpu.sem_alloc : memref<!tpu.dma_semaphore, #tpu.memory_space<semaphore_mem>>
      %dma_start3A_34 = arith.constant 0 : i32
      %dma_start3A_35 = arith.constant 0 : i32
      %dma_start3A_36 = tpu.memref_slice %arg3[%add3A, %dma_start3A_34, %dma_start3A_35] : memref<32x80x128xi32, #tpu.memory_space<hbm>> -> memref<1x40x128xi32, #tpu.memory_space<hbm>>
      %dma_start3A_37 = tpu.memref_squeeze %dma_start3A_36 : memref<1x40x128xi32, #tpu.memory_space<hbm>> -> memref<40x128xi32, #tpu.memory_space<hbm>>
      %dma_start3A_38 = arith.constant 0 : i32
      %dma_start3A_39 = arith.constant 0 : i32
      %dma_start3A_40 = tpu.memref_slice %arg3[%add3A, %dma_start3A_38, %dma_start3A_39] : memref<32x80x128xi32, #tpu.memory_space<hbm>> -> memref<1x40x128xi32, #tpu.memory_space<hbm>>
      %dma_start3A_41 = tpu.memref_squeeze %dma_start3A_40 : memref<1x40x128xi32, #tpu.memory_space<hbm>> -> memref<40x128xi32, #tpu.memory_space<hbm>>
      tpu.enqueue_dma source(%dma_start3A_41 : memref<40x128xi32, #tpu.memory_space<hbm>>) target(%arg6 : memref<40x128xi32, #tpu.memory_space<vmem>>) target_semaphore(%run_scoped3A_33 : memref<!tpu.dma_semaphore, #tpu.memory_space<semaphore_mem>>)
      %dma_wait3A_42 = arith.constant 0 : i32
      %dma_wait3A_43 = arith.constant 0 : i32
      %dma_wait3A_44 = tpu.memref_slice %arg3[%add3A, %dma_wait3A_42, %dma_wait3A_43] : memref<32x80x128xi32, #tpu.memory_space<hbm>> -> memref<1x40x128xi32, #tpu.memory_space<hbm>>
      %dma_wait3A_45 = tpu.memref_squeeze %dma_wait3A_44 : memref<1x40x128xi32, #tpu.memory_space<hbm>> -> memref<40x128xi32, #tpu.memory_space<hbm>>
      %dma_wait3A_46 = arith.constant 0 : i32
      %dma_wait3A_47 = arith.constant 0 : i32
      %dma_wait3A_48 = tpu.memref_slice %arg3[%add3A, %dma_wait3A_46, %dma_wait3A_47] : memref<32x80x128xi32, #tpu.memory_space<hbm>> -> memref<1x40x128xi32, #tpu.memory_space<hbm>>
      %dma_wait3A_49 = tpu.memref_squeeze %dma_wait3A_48 : memref<1x40x128xi32, #tpu.memory_space<hbm>> -> memref<40x128xi32, #tpu.memory_space<hbm>>
      tpu.wait_dma2 semaphore(%run_scoped3A_33 : memref<!tpu.dma_semaphore, #tpu.memory_space<semaphore_mem>>) src(%dma_wait3A_49 : memref<40x128xi32, #tpu.memory_space<hbm>>) dst(%arg6 : memref<40x128xi32, #tpu.memory_space<vmem>>)
      tpu.yield
    }) : () -> ()
    "tpu.region"() ({
      %run_scoped3A_33 = tpu.sem_alloc : memref<!tpu.dma_semaphore, #tpu.memory_space<semaphore_mem>>
      %dma_start3A_34 = arith.constant 0 : i32
      %dma_start3A_35 = arith.constant 0 : i32
      %dma_start3A_36 = tpu.memref_slice %arg4[%add3A, %dma_start3A_34, %dma_start3A_35] : memref<32x80x128xi32, #tpu.memory_space<hbm>> -> memref<1x40x128xi32, #tpu.memory_space<hbm>>
      %dma_start3A_37 = tpu.memref_squeeze %dma_start3A_36 : memref<1x40x128xi32, #tpu.memory_space<hbm>> -> memref<40x128xi32, #tpu.memory_space<hbm>>
      %dma_start3A_38 = arith.constant 0 : i32
      %dma_start3A_39 = arith.constant 0 : i32
      %dma_start3A_40 = tpu.memref_slice %arg4[%add3A, %dma_start3A_38, %dma_start3A_39] : memref<32x80x128xi32, #tpu.memory_space<hbm>> -> memref<1x40x128xi32, #tpu.memory_space<hbm>>
      %dma_start3A_41 = tpu.memref_squeeze %dma_start3A_40 : memref<1x40x128xi32, #tpu.memory_space<hbm>> -> memref<40x128xi32, #tpu.memory_space<hbm>>
      tpu.enqueue_dma source(%dma_start3A_41 : memref<40x128xi32, #tpu.memory_space<hbm>>) target(%arg7 : memref<40x128xi32, #tpu.memory_space<vmem>>) target_semaphore(%run_scoped3A_33 : memref<!tpu.dma_semaphore, #tpu.memory_space<semaphore_mem>>)
      %dma_wait3A_42 = arith.constant 0 : i32
      %dma_wait3A_43 = arith.constant 0 : i32
      %dma_wait3A_44 = tpu.memref_slice %arg4[%add3A, %dma_wait3A_42, %dma_wait3A_43] : memref<32x80x128xi32, #tpu.memory_space<hbm>> -> memref<1x40x128xi32, #tpu.memory_space<hbm>>
      %dma_wait3A_45 = tpu.memref_squeeze %dma_wait3A_44 : memref<1x40x128xi32, #tpu.memory_space<hbm>> -> memref<40x128xi32, #tpu.memory_space<hbm>>
      %dma_wait3A_46 = arith.constant 0 : i32
      %dma_wait3A_47 = arith.constant 0 : i32
      %dma_wait3A_48 = tpu.memref_slice %arg4[%add3A, %dma_wait3A_46, %dma_wait3A_47] : memref<32x80x128xi32, #tpu.memory_space<hbm>> -> memref<1x40x128xi32, #tpu.memory_space<hbm>>
      %dma_wait3A_49 = tpu.memref_squeeze %dma_wait3A_48 : memref<1x40x128xi32, #tpu.memory_space<hbm>> -> memref<40x128xi32, #tpu.memory_space<hbm>>
      tpu.wait_dma2 semaphore(%run_scoped3A_33 : memref<!tpu.dma_semaphore, #tpu.memory_space<semaphore_mem>>) src(%dma_wait3A_49 : memref<40x128xi32, #tpu.memory_space<hbm>>) dst(%arg7 : memref<40x128xi32, #tpu.memory_space<vmem>>)
      tpu.yield
    }) : () -> ()
    %scan3A = arith.constant 0 : i32
    %scan3A_5 = arith.constant 0 : i32
    %scan3A_6 = arith.constant 20 : i32
    %scan3A_7 = arith.addi %scan3A_5, %scan3A_6 : i32
    %scan3A_8 = arith.constant 1 : i32
    scf.for %scan3A_33 = %scan3A_5 to %scan3A_7 step %scan3A_8  : i32 {
      %mul3A_34 = arith.constant 2 : i32
      %mul3A_35 = arith.muli %scan3A_33, %mul3A_34 : i32
      %dma_start3A_36 = arith.constant 0 : i32
      %dma_start3A_37 = tpu.memref_slice %arg6[%mul3A_35, %dma_start3A_36] : memref<40x128xi32, #tpu.memory_space<vmem>> -> memref<1x128xi32, #tpu.memory_space<vmem>>
      %dma_start3A_38 = tpu.memref_squeeze %dma_start3A_37 : memref<1x128xi32, #tpu.memory_space<vmem>> -> memref<128xi32, #tpu.memory_space<vmem>>
      %dma_start3A_39 = arith.constant 0 : i32
      %dma_start3A_40 = arith.constant 0 : i32
      %dma_start3A_41 = tpu.memref_slice %arg2[%dma_start3A_39, %dma_start3A_40] : memref<10240x128xf32, #tpu.memory_space<hbm>> -> memref<10240x128xf32, #tpu.memory_space<hbm>>
      tpu.enqueue_indirect_dma source(%dma_start3A_41 : memref<10240x128xf32, #tpu.memory_space<hbm>>) target(%arg8 : memref<128x128xf32, #tpu.memory_space<vmem>>) offsets(%dma_start3A_38 : memref<128xi32, #tpu.memory_space<vmem>>) semaphore(%arg11 : memref<!tpu.dma_semaphore, #tpu.memory_space<semaphore_mem>>)
      %add3A_42 = arith.constant 1 : i32
      %add3A_43 = arith.addi %mul3A_35, %add3A_42 : i32
      %dma_start3A_44 = arith.constant 0 : i32
      %dma_start3A_45 = tpu.memref_slice %arg6[%add3A_43, %dma_start3A_44] : memref<40x128xi32, #tpu.memory_space<vmem>> -> memref<1x128xi32, #tpu.memory_space<vmem>>
      %dma_start3A_46 = tpu.memref_squeeze %dma_start3A_45 : memref<1x128xi32, #tpu.memory_space<vmem>> -> memref<128xi32, #tpu.memory_space<vmem>>
      %dma_start3A_47 = arith.constant 0 : i32
      %dma_start3A_48 = arith.constant 0 : i32
      %dma_start3A_49 = tpu.memref_slice %arg2[%dma_start3A_47, %dma_start3A_48] : memref<10240x128xf32, #tpu.memory_space<hbm>> -> memref<10240x128xf32, #tpu.memory_space<hbm>>
      tpu.enqueue_indirect_dma source(%dma_start3A_49 : memref<10240x128xf32, #tpu.memory_space<hbm>>) target(%arg9 : memref<128x128xf32, #tpu.memory_space<vmem>>) offsets(%dma_start3A_46 : memref<128xi32, #tpu.memory_space<vmem>>) semaphore(%arg12 : memref<!tpu.dma_semaphore, #tpu.memory_space<semaphore_mem>>)
      %dma_wait3A_50 = arith.constant 0 : i32
      %dma_wait3A_51 = tpu.memref_slice %arg6[%mul3A_35, %dma_wait3A_50] : memref<40x128xi32, #tpu.memory_space<vmem>> -> memref<1x128xi32, #tpu.memory_space<vmem>>
      %dma_wait3A_52 = tpu.memref_squeeze %dma_wait3A_51 : memref<1x128xi32, #tpu.memory_space<vmem>> -> memref<128xi32, #tpu.memory_space<vmem>>
      %dma_wait3A_53 = arith.constant 0 : i32
      %dma_wait3A_54 = arith.constant 0 : i32
      %dma_wait3A_55 = tpu.memref_slice %arg2[%dma_wait3A_53, %dma_wait3A_54] : memref<10240x128xf32, #tpu.memory_space<hbm>> -> memref<10240x128xf32, #tpu.memory_space<hbm>>
      tpu.wait_indirect_dma semaphore(%arg11 : memref<!tpu.dma_semaphore, #tpu.memory_space<semaphore_mem>>) src(%dma_wait3A_55 : memref<10240x128xf32, #tpu.memory_space<hbm>>) dst(%arg8 : memref<128x128xf32, #tpu.memory_space<vmem>>)
      "tpu.region"() ({
        %run_scoped3A_64 = tpu.sem_alloc : memref<!tpu.dma_semaphore, #tpu.memory_space<semaphore_mem>>
        %dma_start3A_65 = arith.constant 0 : i32
        %dma_start3A_66 = tpu.memref_slice %arg7[%mul3A_35, %dma_start3A_65] : memref<40x128xi32, #tpu.memory_space<vmem>> -> memref<1x128xi32, #tpu.memory_space<vmem>>
        %dma_start3A_67 = tpu.memref_squeeze %dma_start3A_66 : memref<1x128xi32, #tpu.memory_space<vmem>> -> memref<128xi32, #tpu.memory_space<vmem>>
        %dma_start3A_68 = arith.constant 0 : i32
        %dma_start3A_69 = arith.constant 0 : i32
        %dma_start3A_70 = tpu.memref_slice %arg10[%dma_start3A_68, %dma_start3A_69] : memref<10240x128xf32, #tpu.memory_space<vmem_shared>> -> memref<10240x128xf32, #tpu.memory_space<vmem_shared>>
        tpu.enqueue_indirect_dma source(%arg8 : memref<128x128xf32, #tpu.memory_space<vmem>>) target(%dma_start3A_70 : memref<10240x128xf32, #tpu.memory_space<vmem_shared>>) offsets(%dma_start3A_67 : memref<128xi32, #tpu.memory_space<vmem>>) semaphore(%run_scoped3A_64 : memref<!tpu.dma_semaphore, #tpu.memory_space<semaphore_mem>>) {add = true}
        %dma_wait3A_71 = arith.constant 0 : i32
        %dma_wait3A_72 = tpu.memref_slice %arg7[%mul3A_35, %dma_wait3A_71] : memref<40x128xi32, #tpu.memory_space<vmem>> -> memref<1x128xi32, #tpu.memory_space<vmem>>
        %dma_wait3A_73 = tpu.memref_squeeze %dma_wait3A_72 : memref<1x128xi32, #tpu.memory_space<vmem>> -> memref<128xi32, #tpu.memory_space<vmem>>
        %dma_wait3A_74 = arith.constant 0 : i32
        %dma_wait3A_75 = arith.constant 0 : i32
        %dma_wait3A_76 = tpu.memref_slice %arg10[%dma_wait3A_74, %dma_wait3A_75] : memref<10240x128xf32, #tpu.memory_space<vmem_shared>> -> memref<10240x128xf32, #tpu.memory_space<vmem_shared>>
        tpu.wait_indirect_dma semaphore(%run_scoped3A_64 : memref<!tpu.dma_semaphore, #tpu.memory_space<semaphore_mem>>) src(%arg8 : memref<128x128xf32, #tpu.memory_space<vmem>>) dst(%dma_wait3A_76 : memref<10240x128xf32, #tpu.memory_space<vmem_shared>>)
        tpu.yield
      }) : () -> ()
      %dma_wait3A_56 = arith.constant 0 : i32
      %dma_wait3A_57 = tpu.memref_slice %arg6[%add3A_43, %dma_wait3A_56] : memref<40x128xi32, #tpu.memory_space<vmem>> -> memref<1x128xi32, #tpu.memory_space<vmem>>
      %dma_wait3A_58 = tpu.memref_squeeze %dma_wait3A_57 : memref<1x128xi32, #tpu.memory_space<vmem>> -> memref<128xi32, #tpu.memory_space<vmem>>
      %dma_wait3A_59 = arith.constant 0 : i32
      %dma_wait3A_60 = arith.constant 0 : i32
      %dma_wait3A_61 = tpu.memref_slice %arg2[%dma_wait3A_59, %dma_wait3A_60] : memref<10240x128xf32, #tpu.memory_space<hbm>> -> memref<10240x128xf32, #tpu.memory_space<hbm>>
      tpu.wait_indirect_dma semaphore(%arg12 : memref<!tpu.dma_semaphore, #tpu.memory_space<semaphore_mem>>) src(%dma_wait3A_61 : memref<10240x128xf32, #tpu.memory_space<hbm>>) dst(%arg9 : memref<128x128xf32, #tpu.memory_space<vmem>>)
      %add3A_62 = arith.constant 1 : i32
      %add3A_63 = arith.addi %mul3A_35, %add3A_62 : i32
      "tpu.region"() ({
        %run_scoped3A_64 = tpu.sem_alloc : memref<!tpu.dma_semaphore, #tpu.memory_space<semaphore_mem>>
        %dma_start3A_65 = arith.constant 0 : i32
        %dma_start3A_66 = tpu.memref_slice %arg7[%add3A_63, %dma_start3A_65] : memref<40x128xi32, #tpu.memory_space<vmem>> -> memref<1x128xi32, #tpu.memory_space<vmem>>
        %dma_start3A_67 = tpu.memref_squeeze %dma_start3A_66 : memref<1x128xi32, #tpu.memory_space<vmem>> -> memref<128xi32, #tpu.memory_space<vmem>>
        %dma_start3A_68 = arith.constant 0 : i32
        %dma_start3A_69 = arith.constant 0 : i32
        %dma_start3A_70 = tpu.memref_slice %arg10[%dma_start3A_68, %dma_start3A_69] : memref<10240x128xf32, #tpu.memory_space<vmem_shared>> -> memref<10240x128xf32, #tpu.memory_space<vmem_shared>>
        tpu.enqueue_indirect_dma source(%arg9 : memref<128x128xf32, #tpu.memory_space<vmem>>) target(%dma_start3A_70 : memref<10240x128xf32, #tpu.memory_space<vmem_shared>>) offsets(%dma_start3A_67 : memref<128xi32, #tpu.memory_space<vmem>>) semaphore(%run_scoped3A_64 : memref<!tpu.dma_semaphore, #tpu.memory_space<semaphore_mem>>) {add = true}
        %dma_wait3A_71 = arith.constant 0 : i32
        %dma_wait3A_72 = tpu.memref_slice %arg7[%add3A_63, %dma_wait3A_71] : memref<40x128xi32, #tpu.memory_space<vmem>> -> memref<1x128xi32, #tpu.memory_space<vmem>>
        %dma_wait3A_73 = tpu.memref_squeeze %dma_wait3A_72 : memref<1x128xi32, #tpu.memory_space<vmem>> -> memref<128xi32, #tpu.memory_space<vmem>>
        %dma_wait3A_74 = arith.constant 0 : i32
        %dma_wait3A_75 = arith.constant 0 : i32
        %dma_wait3A_76 = tpu.memref_slice %arg10[%dma_wait3A_74, %dma_wait3A_75] : memref<10240x128xf32, #tpu.memory_space<vmem_shared>> -> memref<10240x128xf32, #tpu.memory_space<vmem_shared>>
        tpu.wait_indirect_dma semaphore(%run_scoped3A_64 : memref<!tpu.dma_semaphore, #tpu.memory_space<semaphore_mem>>) src(%arg9 : memref<128x128xf32, #tpu.memory_space<vmem>>) dst(%dma_wait3A_76 : memref<10240x128xf32, #tpu.memory_space<vmem_shared>>)
        tpu.yield
      }) : () -> ()
    }
    %scan3A_9 = arith.constant 20 : i32
    "tpu.region"() ({
      %run_scoped3A_33 = tpu.sem_alloc : memref<!tpu.dma_semaphore, #tpu.memory_space<semaphore_mem>>
      %dma_start3A_34 = arith.constant 40 : i32
      %dma_start3A_35 = arith.constant 0 : i32
      %dma_start3A_36 = tpu.memref_slice %arg3[%add3A, %dma_start3A_34, %dma_start3A_35] : memref<32x80x128xi32, #tpu.memory_space<hbm>> -> memref<1x40x128xi32, #tpu.memory_space<hbm>>
      %dma_start3A_37 = tpu.memref_squeeze %dma_start3A_36 : memref<1x40x128xi32, #tpu.memory_space<hbm>> -> memref<40x128xi32, #tpu.memory_space<hbm>>
      %dma_start3A_38 = arith.constant 40 : i32
      %dma_start3A_39 = arith.constant 0 : i32
      %dma_start3A_40 = tpu.memref_slice %arg3[%add3A, %dma_start3A_38, %dma_start3A_39] : memref<32x80x128xi32, #tpu.memory_space<hbm>> -> memref<1x40x128xi32, #tpu.memory_space<hbm>>
      %dma_start3A_41 = tpu.memref_squeeze %dma_start3A_40 : memref<1x40x128xi32, #tpu.memory_space<hbm>> -> memref<40x128xi32, #tpu.memory_space<hbm>>
      tpu.enqueue_dma source(%dma_start3A_41 : memref<40x128xi32, #tpu.memory_space<hbm>>) target(%arg6 : memref<40x128xi32, #tpu.memory_space<vmem>>) target_semaphore(%run_scoped3A_33 : memref<!tpu.dma_semaphore, #tpu.memory_space<semaphore_mem>>)
      %dma_wait3A_42 = arith.constant 40 : i32
      %dma_wait3A_43 = arith.constant 0 : i32
      %dma_wait3A_44 = tpu.memref_slice %arg3[%add3A, %dma_wait3A_42, %dma_wait3A_43] : memref<32x80x128xi32, #tpu.memory_space<hbm>> -> memref<1x40x128xi32, #tpu.memory_space<hbm>>
      %dma_wait3A_45 = tpu.memref_squeeze %dma_wait3A_44 : memref<1x40x128xi32, #tpu.memory_space<hbm>> -> memref<40x128xi32, #tpu.memory_space<hbm>>
      %dma_wait3A_46 = arith.constant 40 : i32
      %dma_wait3A_47 = arith.constant 0 : i32
      %dma_wait3A_48 = tpu.memref_slice %arg3[%add3A, %dma_wait3A_46, %dma_wait3A_47] : memref<32x80x128xi32, #tpu.memory_space<hbm>> -> memref<1x40x128xi32, #tpu.memory_space<hbm>>
      %dma_wait3A_49 = tpu.memref_squeeze %dma_wait3A_48 : memref<1x40x128xi32, #tpu.memory_space<hbm>> -> memref<40x128xi32, #tpu.memory_space<hbm>>
      tpu.wait_dma2 semaphore(%run_scoped3A_33 : memref<!tpu.dma_semaphore, #tpu.memory_space<semaphore_mem>>) src(%dma_wait3A_49 : memref<40x128xi32, #tpu.memory_space<hbm>>) dst(%arg6 : memref<40x128xi32, #tpu.memory_space<vmem>>)
      tpu.yield
    }) : () -> ()
    "tpu.region"() ({
      %run_scoped3A_33 = tpu.sem_alloc : memref<!tpu.dma_semaphore, #tpu.memory_space<semaphore_mem>>
      %dma_start3A_34 = arith.constant 40 : i32
      %dma_start3A_35 = arith.constant 0 : i32
      %dma_start3A_36 = tpu.memref_slice %arg4[%add3A, %dma_start3A_34, %dma_start3A_35] : memref<32x80x128xi32, #tpu.memory_space<hbm>> -> memref<1x40x128xi32, #tpu.memory_space<hbm>>
      %dma_start3A_37 = tpu.memref_squeeze %dma_start3A_36 : memref<1x40x128xi32, #tpu.memory_space<hbm>> -> memref<40x128xi32, #tpu.memory_space<hbm>>
      %dma_start3A_38 = arith.constant 40 : i32
      %dma_start3A_39 = arith.constant 0 : i32
      %dma_start3A_40 = tpu.memref_slice %arg4[%add3A, %dma_start3A_38, %dma_start3A_39] : memref<32x80x128xi32, #tpu.memory_space<hbm>> -> memref<1x40x128xi32, #tpu.memory_space<hbm>>
      %dma_start3A_41 = tpu.memref_squeeze %dma_start3A_40 : memref<1x40x128xi32, #tpu.memory_space<hbm>> -> memref<40x128xi32, #tpu.memory_space<hbm>>
      tpu.enqueue_dma source(%dma_start3A_41 : memref<40x128xi32, #tpu.memory_space<hbm>>) target(%arg7 : memref<40x128xi32, #tpu.memory_space<vmem>>) target_semaphore(%run_scoped3A_33 : memref<!tpu.dma_semaphore, #tpu.memory_space<semaphore_mem>>)
      %dma_wait3A_42 = arith.constant 40 : i32
      %dma_wait3A_43 = arith.constant 0 : i32
      %dma_wait3A_44 = tpu.memref_slice %arg4[%add3A, %dma_wait3A_42, %dma_wait3A_43] : memref<32x80x128xi32, #tpu.memory_space<hbm>> -> memref<1x40x128xi32, #tpu.memory_space<hbm>>
      %dma_wait3A_45 = tpu.memref_squeeze %dma_wait3A_44 : memref<1x40x128xi32, #tpu.memory_space<hbm>> -> memref<40x128xi32, #tpu.memory_space<hbm>>
      %dma_wait3A_46 = arith.constant 40 : i32
      %dma_wait3A_47 = arith.constant 0 : i32
      %dma_wait3A_48 = tpu.memref_slice %arg4[%add3A, %dma_wait3A_46, %dma_wait3A_47] : memref<32x80x128xi32, #tpu.memory_space<hbm>> -> memref<1x40x128xi32, #tpu.memory_space<hbm>>
      %dma_wait3A_49 = tpu.memref_squeeze %dma_wait3A_48 : memref<1x40x128xi32, #tpu.memory_space<hbm>> -> memref<40x128xi32, #tpu.memory_space<hbm>>
      tpu.wait_dma2 semaphore(%run_scoped3A_33 : memref<!tpu.dma_semaphore, #tpu.memory_space<semaphore_mem>>) src(%dma_wait3A_49 : memref<40x128xi32, #tpu.memory_space<hbm>>) dst(%arg7 : memref<40x128xi32, #tpu.memory_space<vmem>>)
      tpu.yield
    }) : () -> ()
    %scan3A_10 = arith.constant 0 : i32
    %scan3A_11 = arith.constant 0 : i32
    %scan3A_12 = arith.constant 19 : i32
    %scan3A_13 = arith.addi %scan3A_11, %scan3A_12 : i32
    %scan3A_14 = arith.constant 1 : i32
    scf.for %scan3A_33 = %scan3A_11 to %scan3A_13 step %scan3A_14  : i32 {
      %mul3A_34 = arith.constant 2 : i32
      %mul3A_35 = arith.muli %scan3A_33, %mul3A_34 : i32
      %dma_start3A_36 = arith.constant 0 : i32
      %dma_start3A_37 = tpu.memref_slice %arg6[%mul3A_35, %dma_start3A_36] : memref<40x128xi32, #tpu.memory_space<vmem>> -> memref<1x128xi32, #tpu.memory_space<vmem>>
      %dma_start3A_38 = tpu.memref_squeeze %dma_start3A_37 : memref<1x128xi32, #tpu.memory_space<vmem>> -> memref<128xi32, #tpu.memory_space<vmem>>
      %dma_start3A_39 = arith.constant 0 : i32
      %dma_start3A_40 = arith.constant 0 : i32
      %dma_start3A_41 = tpu.memref_slice %arg2[%dma_start3A_39, %dma_start3A_40] : memref<10240x128xf32, #tpu.memory_space<hbm>> -> memref<10240x128xf32, #tpu.memory_space<hbm>>
      tpu.enqueue_indirect_dma source(%dma_start3A_41 : memref<10240x128xf32, #tpu.memory_space<hbm>>) target(%arg8 : memref<128x128xf32, #tpu.memory_space<vmem>>) offsets(%dma_start3A_38 : memref<128xi32, #tpu.memory_space<vmem>>) semaphore(%arg11 : memref<!tpu.dma_semaphore, #tpu.memory_space<semaphore_mem>>)
      %add3A_42 = arith.constant 1 : i32
      %add3A_43 = arith.addi %mul3A_35, %add3A_42 : i32
      %dma_start3A_44 = arith.constant 0 : i32
      %dma_start3A_45 = tpu.memref_slice %arg6[%add3A_43, %dma_start3A_44] : memref<40x128xi32, #tpu.memory_space<vmem>> -> memref<1x128xi32, #tpu.memory_space<vmem>>
      %dma_start3A_46 = tpu.memref_squeeze %dma_start3A_45 : memref<1x128xi32, #tpu.memory_space<vmem>> -> memref<128xi32, #tpu.memory_space<vmem>>
      %dma_start3A_47 = arith.constant 0 : i32
      %dma_start3A_48 = arith.constant 0 : i32
      %dma_start3A_49 = tpu.memref_slice %arg2[%dma_start3A_47, %dma_start3A_48] : memref<10240x128xf32, #tpu.memory_space<hbm>> -> memref<10240x128xf32, #tpu.memory_space<hbm>>
      tpu.enqueue_indirect_dma source(%dma_start3A_49 : memref<10240x128xf32, #tpu.memory_space<hbm>>) target(%arg9 : memref<128x128xf32, #tpu.memory_space<vmem>>) offsets(%dma_start3A_46 : memref<128xi32, #tpu.memory_space<vmem>>) semaphore(%arg12 : memref<!tpu.dma_semaphore, #tpu.memory_space<semaphore_mem>>)
      %dma_wait3A_50 = arith.constant 0 : i32
      %dma_wait3A_51 = tpu.memref_slice %arg6[%mul3A_35, %dma_wait3A_50] : memref<40x128xi32, #tpu.memory_space<vmem>> -> memref<1x128xi32, #tpu.memory_space<vmem>>
      %dma_wait3A_52 = tpu.memref_squeeze %dma_wait3A_51 : memref<1x128xi32, #tpu.memory_space<vmem>> -> memref<128xi32, #tpu.memory_space<vmem>>
      %dma_wait3A_53 = arith.constant 0 : i32
      %dma_wait3A_54 = arith.constant 0 : i32
      %dma_wait3A_55 = tpu.memref_slice %arg2[%dma_wait3A_53, %dma_wait3A_54] : memref<10240x128xf32, #tpu.memory_space<hbm>> -> memref<10240x128xf32, #tpu.memory_space<hbm>>
      tpu.wait_indirect_dma semaphore(%arg11 : memref<!tpu.dma_semaphore, #tpu.memory_space<semaphore_mem>>) src(%dma_wait3A_55 : memref<10240x128xf32, #tpu.memory_space<hbm>>) dst(%arg8 : memref<128x128xf32, #tpu.memory_space<vmem>>)
      "tpu.region"() ({
        %run_scoped3A_64 = tpu.sem_alloc : memref<!tpu.dma_semaphore, #tpu.memory_space<semaphore_mem>>
        %dma_start3A_65 = arith.constant 0 : i32
        %dma_start3A_66 = tpu.memref_slice %arg7[%mul3A_35, %dma_start3A_65] : memref<40x128xi32, #tpu.memory_space<vmem>> -> memref<1x128xi32, #tpu.memory_space<vmem>>
        %dma_start3A_67 = tpu.memref_squeeze %dma_start3A_66 : memref<1x128xi32, #tpu.memory_space<vmem>> -> memref<128xi32, #tpu.memory_space<vmem>>
        %dma_start3A_68 = arith.constant 0 : i32
        %dma_start3A_69 = arith.constant 0 : i32
        %dma_start3A_70 = tpu.memref_slice %arg10[%dma_start3A_68, %dma_start3A_69] : memref<10240x128xf32, #tpu.memory_space<vmem_shared>> -> memref<10240x128xf32, #tpu.memory_space<vmem_shared>>
        tpu.enqueue_indirect_dma source(%arg8 : memref<128x128xf32, #tpu.memory_space<vmem>>) target(%dma_start3A_70 : memref<10240x128xf32, #tpu.memory_space<vmem_shared>>) offsets(%dma_start3A_67 : memref<128xi32, #tpu.memory_space<vmem>>) semaphore(%run_scoped3A_64 : memref<!tpu.dma_semaphore, #tpu.memory_space<semaphore_mem>>) {add = true}
        %dma_wait3A_71 = arith.constant 0 : i32
        %dma_wait3A_72 = tpu.memref_slice %arg7[%mul3A_35, %dma_wait3A_71] : memref<40x128xi32, #tpu.memory_space<vmem>> -> memref<1x128xi32, #tpu.memory_space<vmem>>
        %dma_wait3A_73 = tpu.memref_squeeze %dma_wait3A_72 : memref<1x128xi32, #tpu.memory_space<vmem>> -> memref<128xi32, #tpu.memory_space<vmem>>
        %dma_wait3A_74 = arith.constant 0 : i32
        %dma_wait3A_75 = arith.constant 0 : i32
        %dma_wait3A_76 = tpu.memref_slice %arg10[%dma_wait3A_74, %dma_wait3A_75] : memref<10240x128xf32, #tpu.memory_space<vmem_shared>> -> memref<10240x128xf32, #tpu.memory_space<vmem_shared>>
        tpu.wait_indirect_dma semaphore(%run_scoped3A_64 : memref<!tpu.dma_semaphore, #tpu.memory_space<semaphore_mem>>) src(%arg8 : memref<128x128xf32, #tpu.memory_space<vmem>>) dst(%dma_wait3A_76 : memref<10240x128xf32, #tpu.memory_space<vmem_shared>>)
        tpu.yield
      }) : () -> ()
      %dma_wait3A_56 = arith.constant 0 : i32
      %dma_wait3A_57 = tpu.memref_slice %arg6[%add3A_43, %dma_wait3A_56] : memref<40x128xi32, #tpu.memory_space<vmem>> -> memref<1x128xi32, #tpu.memory_space<vmem>>
      %dma_wait3A_58 = tpu.memref_squeeze %dma_wait3A_57 : memref<1x128xi32, #tpu.memory_space<vmem>> -> memref<128xi32, #tpu.memory_space<vmem>>
      %dma_wait3A_59 = arith.constant 0 : i32
      %dma_wait3A_60 = arith.constant 0 : i32
      %dma_wait3A_61 = tpu.memref_slice %arg2[%dma_wait3A_59, %dma_wait3A_60] : memref<10240x128xf32, #tpu.memory_space<hbm>> -> memref<10240x128xf32, #tpu.memory_space<hbm>>
      tpu.wait_indirect_dma semaphore(%arg12 : memref<!tpu.dma_semaphore, #tpu.memory_space<semaphore_mem>>) src(%dma_wait3A_61 : memref<10240x128xf32, #tpu.memory_space<hbm>>) dst(%arg9 : memref<128x128xf32, #tpu.memory_space<vmem>>)
      %add3A_62 = arith.constant 1 : i32
      %add3A_63 = arith.addi %mul3A_35, %add3A_62 : i32
      "tpu.region"() ({
        %run_scoped3A_64 = tpu.sem_alloc : memref<!tpu.dma_semaphore, #tpu.memory_space<semaphore_mem>>
        %dma_start3A_65 = arith.constant 0 : i32
        %dma_start3A_66 = tpu.memref_slice %arg7[%add3A_63, %dma_start3A_65] : memref<40x128xi32, #tpu.memory_space<vmem>> -> memref<1x128xi32, #tpu.memory_space<vmem>>
        %dma_start3A_67 = tpu.memref_squeeze %dma_start3A_66 : memref<1x128xi32, #tpu.memory_space<vmem>> -> memref<128xi32, #tpu.memory_space<vmem>>
        %dma_start3A_68 = arith.constant 0 : i32
        %dma_start3A_69 = arith.constant 0 : i32
        %dma_start3A_70 = tpu.memref_slice %arg10[%dma_start3A_68, %dma_start3A_69] : memref<10240x128xf32, #tpu.memory_space<vmem_shared>> -> memref<10240x128xf32, #tpu.memory_space<vmem_shared>>
        tpu.enqueue_indirect_dma source(%arg9 : memref<128x128xf32, #tpu.memory_space<vmem>>) target(%dma_start3A_70 : memref<10240x128xf32, #tpu.memory_space<vmem_shared>>) offsets(%dma_start3A_67 : memref<128xi32, #tpu.memory_space<vmem>>) semaphore(%run_scoped3A_64 : memref<!tpu.dma_semaphore, #tpu.memory_space<semaphore_mem>>) {add = true}
        %dma_wait3A_71 = arith.constant 0 : i32
        %dma_wait3A_72 = tpu.memref_slice %arg7[%add3A_63, %dma_wait3A_71] : memref<40x128xi32, #tpu.memory_space<vmem>> -> memref<1x128xi32, #tpu.memory_space<vmem>>
        %dma_wait3A_73 = tpu.memref_squeeze %dma_wait3A_72 : memref<1x128xi32, #tpu.memory_space<vmem>> -> memref<128xi32, #tpu.memory_space<vmem>>
        %dma_wait3A_74 = arith.constant 0 : i32
        %dma_wait3A_75 = arith.constant 0 : i32
        %dma_wait3A_76 = tpu.memref_slice %arg10[%dma_wait3A_74, %dma_wait3A_75] : memref<10240x128xf32, #tpu.memory_space<vmem_shared>> -> memref<10240x128xf32, #tpu.memory_space<vmem_shared>>
        tpu.wait_indirect_dma semaphore(%run_scoped3A_64 : memref<!tpu.dma_semaphore, #tpu.memory_space<semaphore_mem>>) src(%arg9 : memref<128x128xf32, #tpu.memory_space<vmem>>) dst(%dma_wait3A_76 : memref<10240x128xf32, #tpu.memory_space<vmem_shared>>)
        tpu.yield
      }) : () -> ()
    }
    %scan3A_15 = arith.constant 19 : i32
    %dma_start3A = arith.constant 38 : i32
    %dma_start3A_16 = arith.constant 0 : i32
    %dma_start3A_17 = tpu.memref_slice %arg6[%dma_start3A, %dma_start3A_16] : memref<40x128xi32, #tpu.memory_space<vmem>> -> memref<1x128xi32, #tpu.memory_space<vmem>>
    %dma_start3A_18 = tpu.memref_squeeze %dma_start3A_17 : memref<1x128xi32, #tpu.memory_space<vmem>> -> memref<128xi32, #tpu.memory_space<vmem>>
    %dma_start3A_19 = arith.constant 0 : i32
    %dma_start3A_20 = arith.constant 0 : i32
    %dma_start3A_21 = tpu.memref_slice %arg2[%dma_start3A_19, %dma_start3A_20] : memref<10240x128xf32, #tpu.memory_space<hbm>> -> memref<10240x128xf32, #tpu.memory_space<hbm>>
    tpu.enqueue_indirect_dma source(%dma_start3A_21 : memref<10240x128xf32, #tpu.memory_space<hbm>>) target(%arg8 : memref<128x128xf32, #tpu.memory_space<vmem>>) offsets(%dma_start3A_18 : memref<128xi32, #tpu.memory_space<vmem>>) semaphore(%arg11 : memref<!tpu.dma_semaphore, #tpu.memory_space<semaphore_mem>>)
    %dma_wait3A = arith.constant 38 : i32
    %dma_wait3A_22 = arith.constant 0 : i32
    %dma_wait3A_23 = tpu.memref_slice %arg6[%dma_wait3A, %dma_wait3A_22] : memref<40x128xi32, #tpu.memory_space<vmem>> -> memref<1x128xi32, #tpu.memory_space<vmem>>
    %dma_wait3A_24 = tpu.memref_squeeze %dma_wait3A_23 : memref<1x128xi32, #tpu.memory_space<vmem>> -> memref<128xi32, #tpu.memory_space<vmem>>
    %dma_wait3A_25 = arith.constant 0 : i32
    %dma_wait3A_26 = arith.constant 0 : i32
    %dma_wait3A_27 = tpu.memref_slice %arg2[%dma_wait3A_25, %dma_wait3A_26] : memref<10240x128xf32, #tpu.memory_space<hbm>> -> memref<10240x128xf32, #tpu.memory_space<hbm>>
    tpu.wait_indirect_dma semaphore(%arg11 : memref<!tpu.dma_semaphore, #tpu.memory_space<semaphore_mem>>) src(%dma_wait3A_27 : memref<10240x128xf32, #tpu.memory_space<hbm>>) dst(%arg8 : memref<128x128xf32, #tpu.memory_space<vmem>>)
    %run_scoped3A = arith.constant 38 : i32
    "tpu.region"() ({
      %run_scoped3A_33 = tpu.sem_alloc : memref<!tpu.dma_semaphore, #tpu.memory_space<semaphore_mem>>
      %dma_start3A_34 = arith.constant 0 : i32
      %dma_start3A_35 = tpu.memref_slice %arg7[%run_scoped3A, %dma_start3A_34] : memref<40x128xi32, #tpu.memory_space<vmem>> -> memref<1x128xi32, #tpu.memory_space<vmem>>
      %dma_start3A_36 = tpu.memref_squeeze %dma_start3A_35 : memref<1x128xi32, #tpu.memory_space<vmem>> -> memref<128xi32, #tpu.memory_space<vmem>>
      %dma_start3A_37 = arith.constant 0 : i32
      %dma_start3A_38 = arith.constant 0 : i32
      %dma_start3A_39 = tpu.memref_slice %arg10[%dma_start3A_37, %dma_start3A_38] : memref<10240x128xf32, #tpu.memory_space<vmem_shared>> -> memref<10240x128xf32, #tpu.memory_space<vmem_shared>>
      tpu.enqueue_indirect_dma source(%arg8 : memref<128x128xf32, #tpu.memory_space<vmem>>) target(%dma_start3A_39 : memref<10240x128xf32, #tpu.memory_space<vmem_shared>>) offsets(%dma_start3A_36 : memref<128xi32, #tpu.memory_space<vmem>>) semaphore(%run_scoped3A_33 : memref<!tpu.dma_semaphore, #tpu.memory_space<semaphore_mem>>) {add = true}
      %dma_wait3A_40 = arith.constant 0 : i32
      %dma_wait3A_41 = tpu.memref_slice %arg7[%run_scoped3A, %dma_wait3A_40] : memref<40x128xi32, #tpu.memory_space<vmem>> -> memref<1x128xi32, #tpu.memory_space<vmem>>
      %dma_wait3A_42 = tpu.memref_squeeze %dma_wait3A_41 : memref<1x128xi32, #tpu.memory_space<vmem>> -> memref<128xi32, #tpu.memory_space<vmem>>
      %dma_wait3A_43 = arith.constant 0 : i32
      %dma_wait3A_44 = arith.constant 0 : i32
      %dma_wait3A_45 = tpu.memref_slice %arg10[%dma_wait3A_43, %dma_wait3A_44] : memref<10240x128xf32, #tpu.memory_space<vmem_shared>> -> memref<10240x128xf32, #tpu.memory_space<vmem_shared>>
      tpu.wait_indirect_dma semaphore(%run_scoped3A_33 : memref<!tpu.dma_semaphore, #tpu.memory_space<semaphore_mem>>) src(%arg8 : memref<128x128xf32, #tpu.memory_space<vmem>>) dst(%dma_wait3A_45 : memref<10240x128xf32, #tpu.memory_space<vmem_shared>>)
      tpu.yield
    }) : () -> ()
    %barrier3A_28 = arith.constant 0 : index
    tpu.barrier barrier_id(%barrier3A_28)
    %mul3A_29 = arith.constant 640 : i32
    %mul3A_30 = arith.muli %arg1, %mul3A_29 : i32
    %mul3A_31 = arith.constant 640 : i32
    %mul3A_32 = arith.muli %arg1, %mul3A_31 : i32
    "tpu.region"() ({
      %run_scoped3A_33 = tpu.sem_alloc : memref<!tpu.dma_semaphore, #tpu.memory_space<semaphore_mem>>
      %dma_start3A_34 = arith.constant 0 : i32
      %dma_start3A_35 = tpu.memref_slice %arg5[%arg0, %mul3A_32, %dma_start3A_34] : memref<2x10240x128xf32, #tpu.memory_space<hbm>> -> memref<1x640x128xf32, #tpu.memory_space<hbm>>
      %dma_start3A_36 = tpu.memref_squeeze %dma_start3A_35 : memref<1x640x128xf32, #tpu.memory_space<hbm>> -> memref<640x128xf32, #tpu.memory_space<hbm>>
      %dma_start3A_37 = arith.constant 0 : i32
      %dma_start3A_38 = tpu.memref_slice %arg10[%mul3A_30, %dma_start3A_37] : memref<10240x128xf32, #tpu.memory_space<vmem_shared>> -> memref<640x128xf32, #tpu.memory_space<vmem_shared>>
      tpu.enqueue_dma source(%dma_start3A_38 : memref<640x128xf32, #tpu.memory_space<vmem_shared>>) target(%dma_start3A_36 : memref<640x128xf32, #tpu.memory_space<hbm>>) target_semaphore(%run_scoped3A_33 : memref<!tpu.dma_semaphore, #tpu.memory_space<semaphore_mem>>)
      %dma_wait3A_39 = arith.constant 0 : i32
      %dma_wait3A_40 = tpu.memref_slice %arg5[%arg0, %mul3A_32, %dma_wait3A_39] : memref<2x10240x128xf32, #tpu.memory_space<hbm>> -> memref<1x640x128xf32, #tpu.memory_space<hbm>>
      %dma_wait3A_41 = tpu.memref_squeeze %dma_wait3A_40 : memref<1x640x128xf32, #tpu.memory_space<hbm>> -> memref<640x128xf32, #tpu.memory_space<hbm>>
      %dma_wait3A_42 = arith.constant 0 : i32
      %dma_wait3A_43 = tpu.memref_slice %arg10[%mul3A_30, %dma_wait3A_42] : memref<10240x128xf32, #tpu.memory_space<vmem_shared>> -> memref<640x128xf32, #tpu.memory_space<vmem_shared>>
      tpu.wait_dma2 semaphore(%run_scoped3A_33 : memref<!tpu.dma_semaphore, #tpu.memory_space<semaphore_mem>>) src(%dma_wait3A_43 : memref<640x128xf32, #tpu.memory_space<vmem_shared>>) dst(%dma_wait3A_41 : memref<640x128xf32, #tpu.memory_space<hbm>>)
      tpu.yield
    }) : () -> ()
    return
  }
}

module attributes {stable_mosaic.version = 14 : i64} {
  func.func @_mm1_body(%arg0: i32, %arg1: memref<1024x128xf32, #tpu.memory_space<vmem>>, %arg2: memref<128x128xf32, #tpu.memory_space<vmem>>, %arg3: memref<2x1024x128xf32, #tpu.memory_space<vmem>>, %arg4: memref<1024x128xf32, #tpu.memory_space<vmem>>, %arg5: memref<1024x8xf32, #tpu.memory_space<vmem>>) attributes {dimension_semantics = [#tpu.dimension_semantics<arbitrary>], iteration_bounds = array<i64: 10>, scalar_prefetch = 0 : i64, scratch_operands = 0 : i64, tpu.core_type = #tpu.core_type<tc>, window_params = [{transform_indices = @transform_0, window_bounds = array<i64: 1024, 128>}, {pipeline_mode = #tpu.pipeline_mode<synchronous>, transform_indices = @transform_1, window_bounds = array<i64: 128, 128>}, {transform_indices = @transform_2, window_bounds = array<i64: 2, 1024, 128>}, {transform_indices = @transform_3, window_bounds = array<i64: 1024, 128>}, {transform_indices = @transform_4, window_bounds = array<i64: 1024, 8>}]} {
    %get3A = arith.constant 0 : index
    %get3A_0 = arith.constant 0 : index
    %get3A_1 = arith.constant 0 : index
    %get3A_2 = vector.load %arg3[%get3A, %get3A_0, %get3A_1] : memref<2x1024x128xf32, #tpu.memory_space<vmem>>, vector<1x1024x1xf32>
    %get3A_3 = vector.shape_cast %get3A_2 : vector<1x1024x1xf32> to vector<1024x1xf32>
    %get3A_4 = arith.constant 1 : index
    %get3A_5 = arith.constant 0 : index
    %get3A_6 = arith.constant 0 : index
    %get3A_7 = vector.load %arg3[%get3A_4, %get3A_5, %get3A_6] : memref<2x1024x128xf32, #tpu.memory_space<vmem>>, vector<1x1024x1xf32>
    %get3A_8 = vector.shape_cast %get3A_7 : vector<1x1024x1xf32> to vector<1024x1xf32>
    %add3A = arith.addf %get3A_3, %get3A_8 : vector<1024x1xf32>
    %add3A_9 = arith.constant 1.000000e+00 : f32
    %add3A_10 = vector.broadcast %add3A_9 : f32 to vector<1024x1xf32>
    %add3A_11 = arith.addf %add3A, %add3A_10 : vector<1024x1xf32>
    %max3A = arith.constant 1.000000e+00 : f32
    %max3A_12 = vector.broadcast %max3A : f32 to vector<1024x1xf32>
    %max3A_13 = arith.maximumf %add3A_11, %max3A_12 : vector<1024x1xf32>
    %rsqrt3A = math.rsqrt %max3A_13 : vector<1024x1xf32>
    %broadcast_in_dim3A = vector.shape_cast %rsqrt3A : vector<1024x1xf32> to vector<1024x1xf32>
    %broadcast_in_dim3A_14 = vector.broadcast %broadcast_in_dim3A : vector<1024x1xf32> to vector<1024x8xf32>
    %swap3A = arith.constant 0 : index
    %swap3A_15 = arith.constant 0 : index
    %swap3A_16 = vector.load %arg5[%swap3A, %swap3A_15] : memref<1024x8xf32, #tpu.memory_space<vmem>>, vector<1024x8xf32>
    tpu.vector_store %arg5[%swap3A, %swap3A_15], %broadcast_in_dim3A_14 {strides = array<i32>} : memref<1024x8xf32, #tpu.memory_space<vmem>>, vector<1024x8xf32>,
    %get3A_17 = arith.constant 0 : index
    %get3A_18 = arith.constant 0 : index
    %get3A_19 = vector.load %arg1[%get3A_17, %get3A_18] : memref<1024x128xf32, #tpu.memory_space<vmem>>, vector<1024x128xf32>
    %get3A_20 = arith.constant 0 : index
    %get3A_21 = arith.constant 0 : index
    %get3A_22 = vector.load %arg2[%get3A_20, %get3A_21] : memref<128x128xf32, #tpu.memory_space<vmem>>, vector<128x128xf32>
    %dot_general3A = arith.constant dense<0.000000e+00> : vector<1024x128xf32>
    %dot_general3A_23 = tpu.matmul %get3A_19, %get3A_22, %dot_general3A {dimension_numbers = #tpu.dot_dimension_numbers<[1], [0], [0], [1], [0, 0, 1, 1], [], []>, transpose_lhs_hint = false} : vector<1024x128xf32>, vector<128x128xf32>, vector<1024x128xf32> -> vector<1024x128xf32>
    %mul3A = vector.broadcast %rsqrt3A : vector<1024x1xf32> to vector<1024x128xf32>
    %mul3A_24 = arith.mulf %dot_general3A_23, %mul3A : vector<1024x128xf32>
    %swap3A_25 = arith.constant 0 : index
    %swap3A_26 = arith.constant 0 : index
    %swap3A_27 = vector.load %arg4[%swap3A_25, %swap3A_26] : memref<1024x128xf32, #tpu.memory_space<vmem>>, vector<1024x128xf32>
    tpu.vector_store %arg4[%swap3A_25, %swap3A_26], %mul3A_24 {strides = array<i32>} : memref<1024x128xf32, #tpu.memory_space<vmem>>, vector<1024x128xf32>,
    return
  }
  func.func @transform_0(%arg0: i32) -> (i32, i32) {
    %c0_i32 = arith.constant 0 : i32
    %c0_i32_0 = arith.constant 0 : i32
    return %arg0, %c0_i32 : i32, i32
  }
  func.func @transform_1(%arg0: i32) -> (i32, i32) {
    %c0_i32 = arith.constant 0 : i32
    %c0_i32_0 = arith.constant 0 : i32
    %c0_i32_1 = arith.constant 0 : i32
    return %c0_i32, %c0_i32_0 : i32, i32
  }
  func.func @transform_2(%arg0: i32) -> (i32, i32, i32) {
    %c0_i32 = arith.constant 0 : i32
    %c0_i32_0 = arith.constant 0 : i32
    %c0_i32_1 = arith.constant 0 : i32
    return %c0_i32, %arg0, %c0_i32_0 : i32, i32, i32
  }
  func.func @transform_3(%arg0: i32) -> (i32, i32) {
    %c0_i32 = arith.constant 0 : i32
    %c0_i32_0 = arith.constant 0 : i32
    return %arg0, %c0_i32 : i32, i32
  }
  func.func @transform_4(%arg0: i32) -> (i32, i32) {
    %c0_i32 = arith.constant 0 : i32
    %c0_i32_0 = arith.constant 0 : i32
    return %arg0, %c0_i32 : i32, i32
  }
}

module attributes {stable_mosaic.version = 14 : i64} {
  func.func @_mm2_body(%arg0: i32, %arg1: memref<2x1024x128xf32, #tpu.memory_space<vmem>>, %arg2: memref<1024x128xf32, #tpu.memory_space<vmem>>, %arg3: memref<1024x8xf32, #tpu.memory_space<vmem>>, %arg4: memref<128x128xf32, #tpu.memory_space<vmem>>, %arg5: memref<8x128xf32, #tpu.memory_space<vmem>>, %arg6: memref<1024x128xf32, #tpu.memory_space<vmem>>) attributes {dimension_semantics = [#tpu.dimension_semantics<arbitrary>], iteration_bounds = array<i64: 10>, scalar_prefetch = 0 : i64, scratch_operands = 0 : i64, tpu.core_type = #tpu.core_type<tc>, window_params = [{transform_indices = @transform_0, window_bounds = array<i64: 2, 1024, 128>}, {transform_indices = @transform_1, window_bounds = array<i64: 1024, 128>}, {transform_indices = @transform_2, window_bounds = array<i64: 1024, 8>}, {pipeline_mode = #tpu.pipeline_mode<synchronous>, transform_indices = @transform_3, window_bounds = array<i64: 128, 128>}, {pipeline_mode = #tpu.pipeline_mode<synchronous>, transform_indices = @transform_4, window_bounds = array<i64: 8, 128>}, {transform_indices = @transform_5, window_bounds = array<i64: 1024, 128>}]} {
    %get3A = arith.constant 0 : index
    %get3A_0 = arith.constant 0 : index
    %get3A_1 = vector.load %arg3[%get3A, %get3A_0] : memref<1024x8xf32, #tpu.memory_space<vmem>>, vector<1024x1xf32>
    %get3A_2 = arith.constant 0 : index
    %get3A_3 = arith.constant 0 : index
    %get3A_4 = arith.constant 0 : index
    %get3A_5 = vector.load %arg1[%get3A_2, %get3A_3, %get3A_4] : memref<2x1024x128xf32, #tpu.memory_space<vmem>>, vector<1x1024x128xf32>
    %get3A_6 = vector.shape_cast %get3A_5 : vector<1x1024x128xf32> to vector<1024x128xf32>
    %get3A_7 = arith.constant 1 : index
    %get3A_8 = arith.constant 0 : index
    %get3A_9 = arith.constant 0 : index
    %get3A_10 = vector.load %arg1[%get3A_7, %get3A_8, %get3A_9] : memref<2x1024x128xf32, #tpu.memory_space<vmem>>, vector<1x1024x128xf32>
    %get3A_11 = vector.shape_cast %get3A_10 : vector<1x1024x128xf32> to vector<1024x128xf32>
    %add3A = arith.addf %get3A_6, %get3A_11 : vector<1024x128xf32>
    %get3A_12 = arith.constant 0 : index
    %get3A_13 = arith.constant 0 : index
    %get3A_14 = vector.load %arg2[%get3A_12, %get3A_13] : memref<1024x128xf32, #tpu.memory_space<vmem>>, vector<1024x128xf32>
    %sub3A = arith.subf %add3A, %get3A_14 : vector<1024x128xf32>
    %mul3A = vector.broadcast %get3A_1 : vector<1024x1xf32> to vector<1024x128xf32>
    %mul3A_15 = arith.mulf %sub3A, %mul3A : vector<1024x128xf32>
    %get3A_16 = arith.constant 0 : index
    %get3A_17 = arith.constant 0 : index
    %get3A_18 = vector.load %arg5[%get3A_16, %get3A_17] : memref<8x128xf32, #tpu.memory_space<vmem>>, vector<1x128xf32>
    %add3A_19 = vector.broadcast %get3A_18 : vector<1x128xf32> to vector<1024x128xf32>
    %add3A_20 = arith.addf %mul3A_15, %add3A_19 : vector<1024x128xf32>
    %max3A = arith.constant 0.000000e+00 : f32
    %max3A_21 = vector.broadcast %max3A : f32 to vector<1024x128xf32>
    %max3A_22 = arith.maximumf %add3A_20, %max3A_21 : vector<1024x128xf32>
    %get3A_23 = arith.constant 0 : index
    %get3A_24 = arith.constant 0 : index
    %get3A_25 = vector.load %arg4[%get3A_23, %get3A_24] : memref<128x128xf32, #tpu.memory_space<vmem>>, vector<128x128xf32>
    %dot_general3A = arith.constant dense<0.000000e+00> : vector<1024x128xf32>
    %dot_general3A_26 = tpu.matmul %max3A_22, %get3A_25, %dot_general3A {dimension_numbers = #tpu.dot_dimension_numbers<[1], [0], [0], [1], [0, 0, 1, 1], [], []>, transpose_lhs_hint = false} : vector<1024x128xf32>, vector<128x128xf32>, vector<1024x128xf32> -> vector<1024x128xf32>
    %mul3A_27 = vector.broadcast %get3A_1 : vector<1024x1xf32> to vector<1024x128xf32>
    %mul3A_28 = arith.mulf %dot_general3A_26, %mul3A_27 : vector<1024x128xf32>
    %swap3A = arith.constant 0 : index
    %swap3A_29 = arith.constant 0 : index
    %swap3A_30 = vector.load %arg6[%swap3A, %swap3A_29] : memref<1024x128xf32, #tpu.memory_space<vmem>>, vector<1024x128xf32>
    tpu.vector_store %arg6[%swap3A, %swap3A_29], %mul3A_28 {strides = array<i32>} : memref<1024x128xf32, #tpu.memory_space<vmem>>, vector<1024x128xf32>,
    return
  }
  func.func @transform_0(%arg0: i32) -> (i32, i32, i32) {
    %c0_i32 = arith.constant 0 : i32
    %c0_i32_0 = arith.constant 0 : i32
    %c0_i32_1 = arith.constant 0 : i32
    return %c0_i32, %arg0, %c0_i32_0 : i32, i32, i32
  }
  func.func @transform_1(%arg0: i32) -> (i32, i32) {
    %c0_i32 = arith.constant 0 : i32
    %c0_i32_0 = arith.constant 0 : i32
    return %arg0, %c0_i32 : i32, i32
  }
  func.func @transform_2(%arg0: i32) -> (i32, i32) {
    %c0_i32 = arith.constant 0 : i32
    %c0_i32_0 = arith.constant 0 : i32
    return %arg0, %c0_i32 : i32, i32
  }
  func.func @transform_3(%arg0: i32) -> (i32, i32) {
    %c0_i32 = arith.constant 0 : i32
    %c0_i32_0 = arith.constant 0 : i32
    %c0_i32_1 = arith.constant 0 : i32
    return %c0_i32, %c0_i32_0 : i32, i32
  }
  func.func @transform_4(%arg0: i32) -> (i32, i32) {
    %c0_i32 = arith.constant 0 : i32
    %c0_i32_0 = arith.constant 0 : i32
    %c0_i32_1 = arith.constant 0 : i32
    return %c0_i32, %c0_i32_0 : i32, i32
  }
  func.func @transform_5(%arg0: i32) -> (i32, i32) {
    %c0_i32 = arith.constant 0 : i32
    %c0_i32_0 = arith.constant 0 : i32
    return %arg0, %c0_i32 : i32, i32
  }
}

module attributes {stable_mosaic.version = 14 : i64} {
  func.func @_fin_body(%arg0: i32, %arg1: memref<2x1024x128xf32, #tpu.memory_space<vmem>>, %arg2: memref<1024x128xf32, #tpu.memory_space<vmem>>, %arg3: memref<1024x8xf32, #tpu.memory_space<vmem>>, %arg4: memref<8x128xf32, #tpu.memory_space<vmem>>, %arg5: memref<1024x128xf32, #tpu.memory_space<vmem>>) attributes {dimension_semantics = [#tpu.dimension_semantics<arbitrary>], iteration_bounds = array<i64: 10>, scalar_prefetch = 0 : i64, scratch_operands = 0 : i64, tpu.core_type = #tpu.core_type<tc>, window_params = [{transform_indices = @transform_0, window_bounds = array<i64: 2, 1024, 128>}, {transform_indices = @transform_1, window_bounds = array<i64: 1024, 128>}, {transform_indices = @transform_2, window_bounds = array<i64: 1024, 8>}, {pipeline_mode = #tpu.pipeline_mode<synchronous>, transform_indices = @transform_3, window_bounds = array<i64: 8, 128>}, {transform_indices = @transform_4, window_bounds = array<i64: 1024, 128>}]} {
    %get3A = arith.constant 0 : index
    %get3A_0 = arith.constant 0 : index
    %get3A_1 = vector.load %arg3[%get3A, %get3A_0] : memref<1024x8xf32, #tpu.memory_space<vmem>>, vector<1024x1xf32>
    %get3A_2 = arith.constant 0 : index
    %get3A_3 = arith.constant 0 : index
    %get3A_4 = arith.constant 0 : index
    %get3A_5 = vector.load %arg1[%get3A_2, %get3A_3, %get3A_4] : memref<2x1024x128xf32, #tpu.memory_space<vmem>>, vector<1x1024x128xf32>
    %get3A_6 = vector.shape_cast %get3A_5 : vector<1x1024x128xf32> to vector<1024x128xf32>
    %get3A_7 = arith.constant 1 : index
    %get3A_8 = arith.constant 0 : index
    %get3A_9 = arith.constant 0 : index
    %get3A_10 = vector.load %arg1[%get3A_7, %get3A_8, %get3A_9] : memref<2x1024x128xf32, #tpu.memory_space<vmem>>, vector<1x1024x128xf32>
    %get3A_11 = vector.shape_cast %get3A_10 : vector<1x1024x128xf32> to vector<1024x128xf32>
    %add3A = arith.addf %get3A_6, %get3A_11 : vector<1024x128xf32>
    %get3A_12 = arith.constant 0 : index
    %get3A_13 = arith.constant 0 : index
    %get3A_14 = vector.load %arg2[%get3A_12, %get3A_13] : memref<1024x128xf32, #tpu.memory_space<vmem>>, vector<1024x128xf32>
    %sub3A = arith.subf %add3A, %get3A_14 : vector<1024x128xf32>
    %mul3A = vector.broadcast %get3A_1 : vector<1024x1xf32> to vector<1024x128xf32>
    %mul3A_15 = arith.mulf %sub3A, %mul3A : vector<1024x128xf32>
    %get3A_16 = arith.constant 0 : index
    %get3A_17 = arith.constant 0 : index
    %get3A_18 = vector.load %arg4[%get3A_16, %get3A_17] : memref<8x128xf32, #tpu.memory_space<vmem>>, vector<1x128xf32>
    %add3A_19 = vector.broadcast %get3A_18 : vector<1x128xf32> to vector<1024x128xf32>
    %add3A_20 = arith.addf %mul3A_15, %add3A_19 : vector<1024x128xf32>
    %swap3A = arith.constant 0 : index
    %swap3A_21 = arith.constant 0 : index
    %swap3A_22 = vector.load %arg5[%swap3A, %swap3A_21] : memref<1024x128xf32, #tpu.memory_space<vmem>>, vector<1024x128xf32>
    tpu.vector_store %arg5[%swap3A, %swap3A_21], %add3A_20 {strides = array<i32>} : memref<1024x128xf32, #tpu.memory_space<vmem>>, vector<1024x128xf32>,
    return
  }
  func.func @transform_0(%arg0: i32) -> (i32, i32, i32) {
    %c0_i32 = arith.constant 0 : i32
    %c0_i32_0 = arith.constant 0 : i32
    %c0_i32_1 = arith.constant 0 : i32
    return %c0_i32, %arg0, %c0_i32_0 : i32, i32, i32
  }
  func.func @transform_1(%arg0: i32) -> (i32, i32) {
    %c0_i32 = arith.constant 0 : i32
    %c0_i32_0 = arith.constant 0 : i32
    return %arg0, %c0_i32 : i32, i32
  }
  func.func @transform_2(%arg0: i32) -> (i32, i32) {
    %c0_i32 = arith.constant 0 : i32
    %c0_i32_0 = arith.constant 0 : i32
    return %arg0, %c0_i32 : i32, i32
  }
  func.func @transform_3(%arg0: i32) -> (i32, i32) {
    %c0_i32 = arith.constant 0 : i32
    %c0_i32_0 = arith.constant 0 : i32
    %c0_i32_1 = arith.constant 0 : i32
    return %c0_i32, %c0_i32_0 : i32, i32
  }
  func.func @transform_4(%arg0: i32) -> (i32, i32) {
    %c0_i32 = arith.constant 0 : i32
    %c0_i32_0 = arith.constant 0 : i32
    return %arg0, %c0_i32 : i32, i32
  }
}

</mosaic_0001>

<sc_bundles>
// kernel: kernel.11.cloned.1.call-start
scs
__scs_entry_jumppad:
0x0: {  	(pc) =	sbr.rel $0x88, $3  }
0x1: {  	(tag) =	ssettag $0x0;
	lr =	simm.s32 $0x1  }
0x2: {  	[smem:$0x3F9B] =	sst lr;
	_ =	strace $0xD0000000  }
0x3: {  	_ = 	snop  }
0x4: {  	_ = 	snop  }
0x5: {  	_ = 	snop  }
0x6: {  	_ = 	snop  }
0x7: {  	_ = 	snop  }
__scs_overlays_trampoline_lowered:
0x8: {  	[smem:$0x3FAA] =	sst s0  }
0x9: {  	[smem:$0x3FAB] =	sst s1  }
0xa: {  	[smem:$0x3FAC] =	sst s2  }
0xb: {  	[smem:$0x3FAD] =	sst s3  }
0xc: {  	[smem:$0x3FAE] =	sst s4  }
0xd: {  	[smem:$0x3FAF] =	sst s5  }
0xe: {  	[smem:$0x3FB0] =	sst s6  }
0xf: {  	[smem:$0x3FB1] =	sst s7  }
0x10: {  	[smem:$0x3FB2] =	sst s8  }
0x11: {  	[smem:$0x3FB3] =	sst s9;
	s0 =	simm.s32 @!p0 $0x0  }
0x12: {  	s1 =	sld [smem:$0x3F99];
	s0 =	simm.s32 @p0 $0x1  }
0x13: {  	[smem:$0x3FB4] =	sst s0;
	s0 =	simm.s32 @!p1 $0x0  }
0x14: {  	s2 =	sld [smem:$0x3F98];
	s0 =	simm.s32 @p1 $0x1  }
0x15: {  	[smem:$0x3FB5] =	sst s0;
	s0 =	simm.s32 @!p2 $0x0  }
0x16: {  	s3 =	sld [smem:$0x3FDB];
	s0 =	simm.s32 @p2 $0x1  }
0x17: {  	s4 =	simm.s32 $0x1BF5;
	[smem:$0x3FB7] =	sst s0  }
0x18: {  	s0 =	sld [smem:$0x3F9A];
	_ =	swait.ge [sflag:s4], $0x0  }
0x19: {  	s7 =	sld [smem:$0x3F9B]  }
0x1a: {  	s8 =	sadd.s32 $0xFFFFE003, lr  }
0x1b: {  	s9 =	sadd.s32 $0xFFFFFEF7, lr;
	s5 =	simm.s32 $0xFFFFFFFF;
	p2 =	slt.u32 s8, $0xFFFFF086  }
0x1c: {  	p1 =	slt.u32 s9, $0xF7A;
	s5 =	simm.s32 @!p2 $0x0  }
0x1d: {  	s5 =	simm.s32 @p1 $0x1;
	p0 =	seq.s32 s7, s2  }
0x1e: {  	s7 =	smul.u32 @!p0 $0xF7A, s2;
	p2 =	seq.s32 @!p0 s5, $0x0  }
0x1f: {  	s9 =	smul.u32 $0xF7A, s1;
	s8 =	simm.s32 @!p0 $0x1BF5;
	p2 =	por !p2, p0  }
0x20: {  	[sflag:s8] =	ssyncset.s32 @!p0 $0xFFFFF086;
	s6 =	sadd.s32 @!p0 s3, s7;
	s7 =	simm.s32 @!p0 $0x108  }
0x21: {  	s3 =	sadd.s32 s3, s9;
	s6 =	sadd.s32 @!p0 $0x88, s6;
	s7 =	simm.s32 @p2 $0x1082  }
0x22: {  	[simem:s7], [sflag:s8] =	dma.local @!p0 [hbm:s6], $0xF7A  }
0x23: {  	s9 =	sor.u32 $0xD0000000, s2;
	s6 =	simm.s32 $0x108;
	_ =	swait.ge @!p0 [sflag:s8], $0x0  }
0x24: {  	s3 =	sadd.s32 $0x88, s3;
	s6 =	simm.s32 @!p1 $0x1082;
	[sflag:s4] =	ssyncset.s32 $0xFFFFF086  }
0x25: {  	[simem:s6], [sflag:s4] =	dma.local [hbm:s3], $0xF7A  }
0x26: {  	[smem:$0x3F9B] =	sst s1;
	(tag) =	ssettag s2;
	_ =	strace s9  }
0x27: {  	s1 =	sld [smem:$0x3FAB]  }
0x28: {  	s2 =	sld [smem:$0x3FAC]  }
0x29: {  	s4 =	sld [smem:$0x3FAE]  }
0x2a: {  	p0 =	seq.s32 s5, $0x0;
	s5 =	sld [smem:$0x3FAF]  }
0x2b: {  	s6 =	sld [smem:$0x3FB0]  }
0x2c: {  	s7 =	sld [smem:$0x3FB1]  }
0x2d: {  	s3 =	simm.s32 $0x108;
	s8 =	sld [smem:$0x3FB2]  }
0x2e: {  	s3 =	simm.s32 @!p0 $0x1082;
	s9 =	sld [smem:$0x3FB3]  }
0x2f: {  	lr =	sadd.s32 s0, s3;
	s0 =	sld [smem:$0x3FAA]  }
0x30: {  	s3 =	sld [smem:$0x3FAD]  }
0x31: {  	[smem:$0x3FB6] =	sst s10  }
0x32: {  	s10 =	sld [smem:$0x3FB4];
	_ =	sdelay $0x3  }
0x33: {  	p0 =	seq.s32 s10, $0x1;
	s10 =	sld [smem:$0x3FB6];
	_ =	sdelay $0x3  }
0x34: {  	[smem:$0x3FB6] =	sst s10  }
0x35: {  	s10 =	sld [smem:$0x3FB5];
	_ =	sdelay $0x3  }
0x36: {  	p1 =	seq.s32 s10, $0x1;
	s10 =	sld [smem:$0x3FB6];
	_ =	sdelay $0x3  }
0x37: {  	[smem:$0x3FB6] =	sst s10  }
0x38: {  	s10 =	sld [smem:$0x3FB7]  }
0x39: {  	_ = 	snop;
	(pc) =	sbr.ind lr, $3  }
0x3a: {  	_ = 	snop  }
0x3b: {  	_ = 	snop  }
0x3c: {  	p2 =	seq.s32 s10, $0x1;
	s10 =	sld [smem:$0x3FB6]  }
0x3d: {  	_ =	shalt  }
0x3e: {  	_ =	shalt  }
0x3f: {  	_ =	shalt  }
0x40: {  	_ =	shalt  }
0x41: {  	_ =	shalt  }
0x42: {  	_ =	shalt  }
0x43: {  	_ =	shalt  }
0x44: {  	_ =	shalt  }
0x45: {  	_ =	shalt  }
0x46: {  	_ =	shalt  }
0x47: {  	_ =	shalt  }
0x48: {  	_ =	shalt  }
0x49: {  	_ =	shalt  }
0x4a: {  	_ =	shalt  }
0x4b: {  	_ =	shalt  }
0x4c: {  	_ =	shalt  }
0x4d: {  	_ =	shalt  }
0x4e: {  	_ =	shalt  }
0x4f: {  	_ =	shalt  }
0x50: {  	_ =	shalt  }
0x51: {  	_ =	shalt  }
0x52: {  	_ =	shalt  }
0x53: {  	_ =	shalt  }
0x54: {  	_ =	shalt  }
0x55: {  	_ =	shalt  }
0x56: {  	_ =	shalt  }
0x57: {  	_ =	shalt  }
0x58: {  	_ =	shalt  }
0x59: {  	_ =	shalt  }
0x5a: {  	_ =	shalt  }
0x5b: {  	_ =	shalt  }
0x5c: {  	_ =	shalt  }
0x5d: {  	_ =	shalt  }
0x5e: {  	_ =	shalt  }
0x5f: {  	_ =	shalt  }
0x60: {  	_ =	shalt  }
0x61: {  	_ =	shalt  }
0x62: {  	_ =	shalt  }
0x63: {  	_ =	shalt  }
0x64: {  	_ =	shalt  }
0x65: {  	_ =	shalt  }
0x66: {  	_ =	shalt  }
0x67: {  	_ =	shalt  }
0x68: {  	_ =	shalt  }
0x69: {  	_ =	shalt  }
0x6a: {  	_ =	shalt  }
0x6b: {  	_ =	shalt  }
0x6c: {  	_ =	shalt  }
0x6d: {  	_ =	shalt  }
0x6e: {  	_ =	shalt  }
0x6f: {  	_ =	shalt  }
0x70: {  	_ =	shalt  }
0x71: {  	_ =	shalt  }
0x72: {  	_ =	shalt  }
0x73: {  	_ =	shalt  }
0x74: {  	_ =	shalt  }
0x75: {  	_ =	shalt  }
0x76: {  	_ =	shalt  }
0x77: {  	_ =	shalt  }
0x78: {  	_ =	shalt  }
0x79: {  	_ =	shalt  }
0x7a: {  	_ =	shalt  }
0x7b: {  	_ =	shalt  }
0x7c: {  	_ =	shalt  }
0x7d: {  	_ =	shalt  }
0x7e: {  	_ =	shalt  }
0x7f: {  	_ =	shalt  }
0x80: {  	_ =	shalt  }
0x81: {  	_ =	shalt  }
0x82: {  	_ =	shalt  }
0x83: {  	_ =	shalt  }
0x84: {  	_ =	shalt  }
0x85: {  	_ =	shalt  }
0x86: {  	_ =	shalt  }
0x87: {  	_ =	shalt  }
.Lfunc_end0:
.L_simem_size_0:
called_computation.1_lowered:
.L_overlay_start_0:
0x88: {  	s2 =	sld [smem:$0x3FD9]  }
0x89: {  	s3 =	sld [smem:$0x3FFE];
	_ =	sdelay $0x1  }
0x8a: {  	s1 =	srdreg.scid  }
0x8b: {  	s0 =	sand.u32 $0x1, s1  }
0x8c: {  	s17 =	sshll.u32 s0, $0xA;
	s2 =	sadd.s32 s3, s2  }
0x8d: {  	s2 =	sadd.s32 s2, s17  }
0x8e: {  	[smem:$0x3FC2] =	sst s2  }
0x8f: {  	_ = 	snop  }
0x90: {  	s2 =	sld [smem:$0x3FD0];
	(tm) =	ssettm $0x1  }
0x91: {  	s18 =	sld [smem:$0x3FFB];
	_ =	sdelay $0x3  }
0x92: {  	_ =	strace s18  }
0x93: {  	s3 =	sld [smem:$0x3FFC];
	_ =	sdelay $0x3  }
0x94: {  	_ =	strace s3  }
0x95: {  	s3 =	sld [smem:$0x3FFD];
	_ =	sdelay $0x3  }
0x96: {  	_ =	strace s3  }
0x97: {  	_ =	strace $0x8FFFFFFF  }
0x98: {  	s19 =	sld [smem:$0x3FDB];
	_ =	sdelay $0x1  }
0x99: {  	s4 =	simm.s32 $_scs_section_size  }
0x9a: {  	s5 =	simm.s32 $_size__tile_overlayer_lowered;
	s6 =	simm.s32 $_tile_overlayer_lowered  }
0x9b: {  	s22 =	simm.s32 $0x1BFF;
	s21 =	sshll.u32 s6, $0x1;
	s3 =	sadd.s32 s4, s19  }
0x9c: {  	s7 =	simm.s32 $0x0;
	s20 =	sshll.u32 s5, $0x1;
	s5 =	sadd.s32 s21, s3  }
0x9d: {  	[timem:s7], [sflag:s22] =	dma.local [hbm:s5], s20  }
0x9e: {  	_ =	swait.ge [sflag:s22], s20  }
0x9f: {  	s4 =	ssub.s32 $0x0, s20;
	[sflag:s22] =	ssyncset.done $0x0  }
0xa0: {  	[sflag:s22] =	ssyncadd.s32 s4;
	_ =	sdelay $0x1  }
0xa1: {  	s23 =	simm.s32 $0x1B8B  }
0xa2: {  	_ =	swait.ge [sflag:s23], $0x1  }
0xa3: {  	[sflag:s23] =	ssyncset.done $0x0  }
0xa4: {  	s25 =	simm.s32 $0x1B8E;
	s24 =	sld [smem:$0x3FFE];
	[sflag:s23] =	ssyncadd.s32 $0xFFFFFFFF  }
0xa5: {  	s26 =	simm.s32 $execute0_lowered;
	[smem:$0x3FD2] =	sst s25  }
0xa6: {  	s5 =	sshll.u32 s26, $0x1;
	_ =	strace $0x80000049;
	[dreg:$0x1] =	wrdreg $0xFFFFFFFF  }
0xa7: {  	s28 =	simm.s32 $_size_execute0_lowered;
	s3 =	sadd.s32 s3, s5;
	[dreg:$0x0] =	wrdreg $0x0  }
0xa8: {  	s5 =	sshll.u32 s28, $0x1;
	[dreg:$0x2] =	wrdreg s3  }
0xa9: {  	[dreg:$0x3] =	wrdreg s5  }
0xaa: {  	[dreg:$0x4] =	wrdreg $0xC0  }
0xab: {  	_ =	task [dreg:s7], $0x5FFFF  }
0xac: {  	[dreg:$0x1] =	wrdreg $0xFFFFFFFF  }
0xad: {  	[dreg:$0x0] =	wrdreg $0x60  }
0xae: {  	[dreg:$0x2] =	wrdreg s24  }
0xaf: {  	[dreg:$0x3] =	wrdreg s2  }
0xb0: {  	[dreg:$0x4] =	wrdreg $0xA8000  }
0xb1: {  	[dreg:$0x5] =	wrdreg $0x9  }
0xb2: {  	_ =	task.clear_ibuf [dreg:s7], $0x6FFFF;
	_ =	strace $0x90000049  }
0xb3: {  	s29 =	simm.s32 $0x9;
	_ =	strace $0x8000004B  }
0xb4: {  	_ =	swait.ge [sflag:s29], $0x1  }
0xb5: {  	[sflag:s29] =	ssyncadd.s32 $0xFFFFFFFF  }
0xb6: {  	_ =	strace $0x9000004B  }
0xb7: {  	_ =	sfence  }
0xb8: {  	s30 =	sld [smem:$0x0];
	_ =	sdelay $0x2  }
0xb9: {  	s31 =	sshll.u32 s1, $0xD;
	s1 =	sshrl.u32 s1, $0x2  }
0xba: {  	s3 =	sand.u32 $0x4000, s31;
	s1 =	sadd.s32 s1, s30  }
0xbb: {  	s0 =	sor.u32 s3, s0;
	s1 =	sshll.u32 s1, $0x11  }
0xbc: {  	s0 =	sor.u32 s1, s0  }
0xbd: {  	s0 =	sadd.s32 $0x8F2B, s0  }
0xbe: {  	[sflag:s0] =	ssyncadd.remote.s32 $0x1  }
0xbf: {  	_ =	sfence.sel $0xFFFF  }
0xc0: {  	[dreg:$0x0] =	wrdreg $0xFFFFFFFF;
	(pc) =	sbr.abs _section_cstart, $3  }
0xc1: {  	[dreg:$0x1] =	wrdreg $0xFFFFFFFF  }
0xc2: {  	_ =	task.clear_ibuf [dreg:s7], $0x2FFFF;
	_ =	strace $0x9FFFFFFF  }
0xc3: {  	(tm) =	ssettm $0x7FFFFFFF  }
tec
execute0_lowered:
.L_overlay_start_1:
0x0: {  	(tag) =	ssettag $0x1  }
0x1: {  	s5 =	rddreg [dreg:$0x0]  }
0x2: {  	s10 =	rddreg [dreg:$0x1]  }
0x3: {  	s1 =	srdreg.scid;
	s0 =	stileid.u32  }
0x4: {  	s2 =	rddreg [dreg:$0x2];
	s3 =	simm.s32 $0x0;
	s16 =	simm.s32 $0x80  }
0x5: {  	s17 =	simm.s32 $0x2800;
	s18 =	simm.s32 $0x6800;
	s19 =	simm.s32 $0x1  }
0x6: {  	s20 =	simm.s32 $0x2;
	s21 =	simm.s32 $0x1300;
	s22 =	simm.s32 $0x2700  }
0x7: {  	s6 =	sand.u32 $0x1, s1;
	s7 =	smul.u32 $0x14000, s0;
	s1 =	rddreg [dreg:$0x3]  }
0x8: {  	s23 =	simm.s32 $0x0;
	[smem:$0x7FF] =	sst s3;
	s12 =	smul.u32 $0x50000, s0  }
0x9: {  	s9 =	sadd.s32 $0x7AE00, s5;
	s30 =	sshll.u32 s0, $0x6;
	s4 =	smul.u32 $0x140000, s6  }
0xa: {  	_ =	strace $0x8000004A;
	s11 =	ssub.s32 $0x2, s6;
	s6 =	sshll.u32 s6, $0x4  }
0xb: {  	s25 =	sshrl.u32 s11, $0x1;
	s6 =	sor.u32 s0, s6;
	s26 =	sshrl.u32 s12, $0x2  }
0xc: {  	s29 =	sshrl.u32 s7, $0x3;
	s8 =	sadd.s32 s7, s4;
	s4 =	sadd.s32 $0x2600, s5  }
0xd: {  	s14 =	ssub.s32 s11, s25;
	s28 =	smul.u32 $0x2800, s6;
	s15 =	sadd.s32 s26, s2  }
0xe: {  	s6 =	sor.u32 $0x1C03, s30;
	s8 =	sshrl.u32 s8, $0x3;
	s12 =	smax.u32 s14, $0x1  }
0xf: {  	s14 =	simm.s32 $0x3;
	s13 =	sadd.s32 s8, s5;
	s31 =	sshrl.u32 s28, $0x3  }
0x10: {  	s5 =	sadd.s32 s4, s29;
	s7 =	sadd.s32 s9, s31;
	s11 =	sadd.s32 $0x280, s31  }
0x11: {  	s8 =	sadd.s32 s10, s31;
	s9 =	sadd.s32 s9, s11;
	s10 =	sadd.s32 s10, s11  }
0x12: {  	s11 =	sadd.s32 $0x2A600, s13;
	s13 =	sshrl.u32 s15, $0x3;
	s15 =	simm.s32 $0x1400  }
.LBB2_1:
0x13: {  	[spmem:s13], [sflag:s6] =	dma.local [hbm:s5], $0x2800  }
0x14: {  	_ =	swait.ge [sflag:s14], $0x2800  }
0x15: {  	[sflag:s14] =	ssyncset.done $0x0  }
0x16: {  	[sflag:s14] =	ssyncadd.s32 $0xFFFFD800  }
0x17: {  	[bflag:$0x0] =	sbarrier.arrive $0xFFFF  }
0x18: {  	[tilespmem:s3], [sflag:$0x3] =	stream.linear.gather [hbm4b:s7+s3], $0x1400, $0x38;
	[tilespmem:$0x1E800] =	vst v63  }
0x19: {  	_ =	swait.ge [sflag:s14], $0x1400  }
0x1a: {  	[sflag:s14] =	ssyncset.done $0x0  }
0x1b: {  	[sflag:s14] =	ssyncadd.s32 $0xFFFFEC00  }
0x1c: {  	[tilespmem:s15], [sflag:$0x3] =	stream.linear.gather [hbm4b:s8+s3], $0x1400, $0x38;
	[tilespmem:$0x1E800] =	vst v63  }
0x1d: {  	_ =	swait.ge [sflag:s14], $0x1400  }
0x1e: {  	[sflag:s14] =	ssyncset.done $0x0  }
0x1f: {  	s24 =	simm.s32 $0x0;
	[sflag:s14] =	ssyncadd.s32 $0xFFFFEC00  }
0x20: {  	[tilespmem:s17], [sflag:$0x1] =	stream.indirect.gather [hbm4b:s4+s16], $0x80, s24, s16, $0xb8;
	[tilespmem:$0x1E800] =	vst v63  }
0x21: {  	s29 =	simm.s32 $0x80  }
0x22: {  	[tilespmem:s18], [sflag:$0x2] =	stream.indirect.gather [hbm4b:s4+s16], $0x80, s29, s16, $0xb8;
	[tilespmem:$0x1E800] =	vst v63  }
0x23: {  	_ =	swait.ge [sflag:s19], $0x4000  }
0x24: {  	[sflag:s19] =	ssyncset.done $0x0  }
0x25: {  	s30 =	simm.s32 $0x1400;
	[sflag:s19] =	ssyncadd.s32 $0xFFFFC000  }
0x26: {  	[spmem:s2] =	stream.indirect.scatter.add.f32 [tilespmem:s17], [sflag:$0x3], $0x80, s30, s16, $0xb8;
	[tilespmem:$0x1E800] =	vst v63  }
0x27: {  	_ =	swait.ge [sflag:s14], $0x4000  }
0x28: {  	[sflag:s14] =	ssyncset.done $0x0  }
0x29: {  	[sflag:s14] =	ssyncadd.s32 $0xFFFFC000  }
0x2a: {  	_ =	swait.ge [sflag:s20], $0x4000  }
0x2b: {  	[sflag:s20] =	ssyncset.done $0x0  }
0x2c: {  	s31 =	simm.s32 $0x1480;
	[sflag:s20] =	ssyncadd.s32 $0xFFFFC000  }
0x2d: {  	[spmem:s2] =	stream.indirect.scatter.add.f32 [tilespmem:s18], [sflag:$0x3], $0x80, s31, s16, $0xb8;
	[tilespmem:$0x1E800] =	vst v63  }
0x2e: {  	_ =	swait.ge [sflag:s14], $0x4000  }
0x2f: {  	s25 =	simm.s32 $0x800;
	s24 =	simm.s32 $0x400;
	[sflag:s14] =	ssyncset.done $0x0  }
.LBB2_2:
0x30: {  	s26 =	sshra.s32 s24, $0x2  }
0x31: {  	[sflag:s14] =	ssyncadd.s32 $0xFFFFC000;
	s24 =	smov.u32 s25;
	s28 =	sadd.s32 $0x400, s25  }
0x32: {  	[tilespmem:s17], [sflag:$0x1] =	stream.indirect.gather [hbm4b:s4+s16], $0x80, s26, s16, $0xb8;
	[tilespmem:$0x1E800] =	vst v63  }
0x33: {  	p0 =	sne.s32 s25, $0x4C00;
	s25 =	sadd.s32 $0x80, s26  }
0x34: {  	[tilespmem:s18], [sflag:$0x2] =	stream.indirect.gather [hbm4b:s4+s16], $0x80, s25, s16, $0xb8;
	[tilespmem:$0x1E800] =	vst v63  }
0x35: {  	_ =	swait.ge [sflag:s19], $0x4000  }
0x36: {  	[sflag:s19] =	ssyncset.done $0x0  }
0x37: {  	s25 =	sadd.s32 $0x1400, s26;
	[sflag:s19] =	ssyncadd.s32 $0xFFFFC000  }
0x38: {  	[spmem:s2] =	stream.indirect.scatter.add.f32 [tilespmem:s17], [sflag:$0x3], $0x80, s25, s16, $0xb8;
	[tilespmem:$0x1E800] =	vst v63  }
0x39: {  	_ =	swait.ge [sflag:s14], $0x4000  }
0x3a: {  	[sflag:s14] =	ssyncset.done $0x0  }
0x3b: {  	[sflag:s14] =	ssyncadd.s32 $0xFFFFC000  }
0x3c: {  	_ =	swait.ge [sflag:s20], $0x4000  }
.Ltmp0:
0x3d: {  	[sflag:s20] =	ssyncset.done $0x0;
	(pc) =	sbr.rel @p0 .LBB2_2-.Ltmp0, $4  }
0x3e: {  	s25 =	sadd.s32 $0x1480, s26;
	[sflag:s20] =	ssyncadd.s32 $0xFFFFC000  }
0x3f: {  	[spmem:s2] =	stream.indirect.scatter.add.f32 [tilespmem:s18], [sflag:$0x3], $0x80, s25, s16, $0xb8;
	[tilespmem:$0x1E800] =	vst v63  }
0x40: {  	_ =	swait.ge [sflag:s14], $0x4000  }
0x41: {  	s25 =	smov.u32 s28;
	[sflag:s14] =	ssyncset.done $0x0  }
0x42: {  	s24 =	sshra.s32 s24, $0x2;
	[sflag:s14] =	ssyncadd.s32 $0xFFFFC000  }
0x43: {  	[tilespmem:s17], [sflag:$0x1] =	stream.indirect.gather [hbm4b:s4+s16], $0x80, s24, s16, $0xb8;
	[tilespmem:$0x1E800] =	vst v63  }
0x44: {  	s25 =	sadd.s32 $0x80, s24  }
0x45: {  	[tilespmem:s18], [sflag:$0x2] =	stream.indirect.gather [hbm4b:s4+s16], $0x80, s25, s16, $0xb8;
	[tilespmem:$0x1E800] =	vst v63  }
0x46: {  	_ =	swait.ge [sflag:s19], $0x4000  }
0x47: {  	[sflag:s19] =	ssyncset.done $0x0  }
0x48: {  	s31 =	sadd.s32 $0x1400, s24;
	[sflag:s19] =	ssyncadd.s32 $0xFFFFC000  }
0x49: {  	[spmem:s2] =	stream.indirect.scatter.add.f32 [tilespmem:s17], [sflag:$0x3], $0x80, s31, s16, $0xb8;
	[tilespmem:$0x1E800] =	vst v63  }
0x4a: {  	_ =	swait.ge [sflag:s14], $0x4000  }
0x4b: {  	[sflag:s14] =	ssyncset.done $0x0  }
0x4c: {  	[sflag:s14] =	ssyncadd.s32 $0xFFFFC000  }
0x4d: {  	_ =	swait.ge [sflag:s20], $0x4000  }
0x4e: {  	[sflag:s20] =	ssyncset.done $0x0  }
0x4f: {  	s24 =	sadd.s32 $0x1480, s24;
	[sflag:s20] =	ssyncadd.s32 $0xFFFFC000  }
0x50: {  	[spmem:s2] =	stream.indirect.scatter.add.f32 [tilespmem:s18], [sflag:$0x3], $0x80, s24, s16, $0xb8;
	[tilespmem:$0x1E800] =	vst v63  }
0x51: {  	_ =	swait.ge [sflag:s14], $0x4000  }
0x52: {  	[sflag:s14] =	ssyncset.done $0x0  }
0x53: {  	s26 =	simm.s32 $0x0;
	[sflag:s14] =	ssyncadd.s32 $0xFFFFC000  }
0x54: {  	[tilespmem:s26], [sflag:$0x3] =	stream.linear.gather [hbm4b:s9+s26], $0x1400, $0x38;
	[tilespmem:$0x1E800] =	vst v63  }
0x55: {  	_ =	swait.ge [sflag:s14], $0x1400  }
0x56: {  	[sflag:s14] =	ssyncset.done $0x0  }
0x57: {  	[sflag:s14] =	ssyncadd.s32 $0xFFFFEC00  }
0x58: {  	[tilespmem:s15], [sflag:$0x3] =	stream.linear.gather [hbm4b:s10+s26], $0x1400, $0x38;
	[tilespmem:$0x1E800] =	vst v63  }
0x59: {  	_ =	swait.ge [sflag:s14], $0x1400  }
0x5a: {  	[sflag:s14] =	ssyncset.done $0x0  }
0x5b: {  	s28 =	simm.s32 $0x0;
	[sflag:s14] =	ssyncadd.s32 $0xFFFFEC00  }
0x5c: {  	[tilespmem:s17], [sflag:$0x1] =	stream.indirect.gather [hbm4b:s4+s16], $0x80, s28, s16, $0xb8;
	[tilespmem:$0x1E800] =	vst v63  }
0x5d: {  	s29 =	simm.s32 $0x80  }
0x5e: {  	[tilespmem:s18], [sflag:$0x2] =	stream.indirect.gather [hbm4b:s4+s16], $0x80, s29, s16, $0xb8;
	[tilespmem:$0x1E800] =	vst v63  }
0x5f: {  	_ =	swait.ge [sflag:s19], $0x4000  }
0x60: {  	[sflag:s19] =	ssyncset.done $0x0  }
0x61: {  	s30 =	simm.s32 $0x1400;
	[sflag:s19] =	ssyncadd.s32 $0xFFFFC000  }
0x62: {  	[spmem:s2] =	stream.indirect.scatter.add.f32 [tilespmem:s17], [sflag:$0x3], $0x80, s30, s16, $0xb8;
	[tilespmem:$0x1E800] =	vst v63  }
0x63: {  	_ =	swait.ge [sflag:s14], $0x4000  }
0x64: {  	[sflag:s14] =	ssyncset.done $0x0  }
0x65: {  	[sflag:s14] =	ssyncadd.s32 $0xFFFFC000  }
0x66: {  	_ =	swait.ge [sflag:s20], $0x4000  }
0x67: {  	[sflag:s20] =	ssyncset.done $0x0  }
0x68: {  	s31 =	simm.s32 $0x1480;
	[sflag:s20] =	ssyncadd.s32 $0xFFFFC000  }
0x69: {  	[spmem:s2] =	stream.indirect.scatter.add.f32 [tilespmem:s18], [sflag:$0x3], $0x80, s31, s16, $0xb8;
	[tilespmem:$0x1E800] =	vst v63  }
0x6a: {  	_ =	swait.ge [sflag:s14], $0x4000  }
0x6b: {  	s25 =	simm.s32 $0x800;
	s24 =	simm.s32 $0x400;
	[sflag:s14] =	ssyncset.done $0x0  }
.LBB2_4:
0x6c: {  	s26 =	sshra.s32 s24, $0x2  }
0x6d: {  	[sflag:s14] =	ssyncadd.s32 $0xFFFFC000;
	s24 =	smov.u32 s25;
	s28 =	sadd.s32 $0x400, s25  }
0x6e: {  	[tilespmem:s17], [sflag:$0x1] =	stream.indirect.gather [hbm4b:s4+s16], $0x80, s26, s16, $0xb8;
	[tilespmem:$0x1E800] =	vst v63  }
0x6f: {  	p0 =	sne.s32 s25, $0x4800;
	s25 =	sadd.s32 $0x80, s26  }
0x70: {  	[tilespmem:s18], [sflag:$0x2] =	stream.indirect.gather [hbm4b:s4+s16], $0x80, s25, s16, $0xb8;
	[tilespmem:$0x1E800] =	vst v63  }
0x71: {  	_ =	swait.ge [sflag:s19], $0x4000  }
0x72: {  	[sflag:s19] =	ssyncset.done $0x0  }
0x73: {  	s25 =	sadd.s32 $0x1400, s26;
	[sflag:s19] =	ssyncadd.s32 $0xFFFFC000  }
0x74: {  	[spmem:s2] =	stream.indirect.scatter.add.f32 [tilespmem:s17], [sflag:$0x3], $0x80, s25, s16, $0xb8;
	[tilespmem:$0x1E800] =	vst v63  }
0x75: {  	_ =	swait.ge [sflag:s14], $0x4000  }
0x76: {  	[sflag:s14] =	ssyncset.done $0x0  }
0x77: {  	[sflag:s14] =	ssyncadd.s32 $0xFFFFC000  }
0x78: {  	_ =	swait.ge [sflag:s20], $0x4000  }
.Ltmp1:
0x79: {  	[sflag:s20] =	ssyncset.done $0x0;
	(pc) =	sbr.rel @p0 .LBB2_4-.Ltmp1, $4  }
0x7a: {  	s25 =	sadd.s32 $0x1480, s26;
	[sflag:s20] =	ssyncadd.s32 $0xFFFFC000  }
0x7b: {  	[spmem:s2] =	stream.indirect.scatter.add.f32 [tilespmem:s18], [sflag:$0x3], $0x80, s25, s16, $0xb8;
	[tilespmem:$0x1E800] =	vst v63  }
0x7c: {  	_ =	swait.ge [sflag:s14], $0x4000  }
0x7d: {  	s25 =	smov.u32 s28;
	[sflag:s14] =	ssyncset.done $0x0  }
0x7e: {  	s24 =	sshra.s32 s24, $0x2;
	[sflag:s14] =	ssyncadd.s32 $0xFFFFC000  }
0x7f: {  	[tilespmem:s17], [sflag:$0x1] =	stream.indirect.gather [hbm4b:s4+s16], $0x80, s24, s16, $0xb8;
	[tilespmem:$0x1E800] =	vst v63  }
0x80: {  	s25 =	sadd.s32 $0x80, s24  }
0x81: {  	[tilespmem:s18], [sflag:$0x2] =	stream.indirect.gather [hbm4b:s4+s16], $0x80, s25, s16, $0xb8;
	[tilespmem:$0x1E800] =	vst v63  }
0x82: {  	_ =	swait.ge [sflag:s19], $0x4000  }
0x83: {  	[sflag:s19] =	ssyncset.done $0x0  }
0x84: {  	s31 =	sadd.s32 $0x1400, s24;
	[sflag:s19] =	ssyncadd.s32 $0xFFFFC000  }
0x85: {  	[spmem:s2] =	stream.indirect.scatter.add.f32 [tilespmem:s17], [sflag:$0x3], $0x80, s31, s16, $0xb8;
	[tilespmem:$0x1E800] =	vst v63  }
0x86: {  	_ =	swait.ge [sflag:s14], $0x4000  }
0x87: {  	[sflag:s14] =	ssyncset.done $0x0  }
0x88: {  	[sflag:s14] =	ssyncadd.s32 $0xFFFFC000  }
0x89: {  	_ =	swait.ge [sflag:s20], $0x4000  }
0x8a: {  	[sflag:s20] =	ssyncset.done $0x0  }
0x8b: {  	s24 =	sadd.s32 $0x1480, s24;
	[sflag:s20] =	ssyncadd.s32 $0xFFFFC000  }
0x8c: {  	[spmem:s2] =	stream.indirect.scatter.add.f32 [tilespmem:s18], [sflag:$0x3], $0x80, s24, s16, $0xb8;
	[tilespmem:$0x1E800] =	vst v63  }
0x8d: {  	_ =	swait.ge [sflag:s14], $0x4000  }
0x8e: {  	[sflag:s14] =	ssyncset.done $0x0  }
0x8f: {  	[sflag:s14] =	ssyncadd.s32 $0xFFFFC000  }
0x90: {  	[tilespmem:s17], [sflag:$0x1] =	stream.indirect.gather [hbm4b:s4+s16], $0x80, s21, s16, $0xb8;
	[tilespmem:$0x1E800] =	vst v63  }
0x91: {  	_ =	swait.ge [sflag:s19], $0x4000  }
0x92: {  	[sflag:s19] =	ssyncset.done $0x0  }
0x93: {  	[sflag:s19] =	ssyncadd.s32 $0xFFFFC000  }
0x94: {  	[spmem:s2] =	stream.indirect.scatter.add.f32 [tilespmem:s17], [sflag:$0x3], $0x80, s22, s16, $0xb8;
	[tilespmem:$0x1E800] =	vst v63  }
0x95: {  	_ =	swait.ge [sflag:s14], $0x4000  }
0x96: {  	s23 =	sadd.s32 $0x1, s23;
	[sflag:s14] =	ssyncset.done $0x0  }
0x97: {  	p0 =	sne.s32 s23, s12;
	[sflag:s14] =	ssyncadd.s32 $0xFFFFC000  }
.Ltmp2:
0x98: {  	[bflag:$0x0] =	sbarrier.arrive $0xFFFF;
	(pc) =	sbr.rel @p0 .LBB2_1-.Ltmp2, $4  }
0x99: {  	[hbm:s11], [sflag:s6] =	dma.local [spmem:s13], $0x2800  }
0x9a: {  	_ =	swait.ge [sflag:s14], $0x2800  }
0x9b: {  	[sflag:s14] =	ssyncset.done $0x0  }
0x9c: {  	[sflag:s14] =	ssyncadd.s32 $0xFFFFD800  }
0x9d: {  	_ =	sfence.sel $0x180000  }
0x9e: {  	[bflag:$0x0] =	sbarrier.arrive $0xFFFF  }
0x9f: {  	p0 =	sne.s32 s0, $0x0;
	_ =	strace $0x9000004A  }
0xa0: {  	s0 =	sadd.s32 @!p0 $0x100000, s1;
	[bflag:$0x2] =	sbarrier.arrive $0xFFFF  }
0xa1: {  	[sflag:s0] =	ssyncadd.tile.s32 @!p0 $0x1;
	_ =	shalt  }
.Lfunc_end2:
_tile_overlayer_lowered:
.L_overlay_start_2:
0xa2: {  	(tag) =	ssettag $0x2  }
0xa3: {  	s0 =	rddreg [dreg:$0x0];
	s2 =	stileid.u32  }
0xa4: {  	s1 =	rddreg [dreg:$0x1];
	p0 =	sne.s32 s2, $0x0  }
0xa5: {  	s3 =	rddreg [dreg:$0x2];
	[bflag:$0x3] =	sbarrier.arrive $0xFFFF;
	s2 =	simm.s32 @!p0 $0x1C03  }
0xa6: {  	[timem:s3], [sflag:s2] =	dma.local @!p0 [hbm:s0], s1  }
0xa7: {  	s0 =	simm.s32 @!p0 $0x3  }
0xa8: {  	_ =	swait.ge @!p0 [sflag:s0], s1  }
0xa9: {  	s1 =	ssub.s32 @!p0 $0x0, s1;
	[sflag:s0] =	ssyncset.done @!p0 $0x0  }
0xaa: {  	[sflag:s0] =	ssyncadd.s32 @!p0 s1  }
0xab: {  	[bflag:$0x3] =	sbarrier.arrive $0xFFFF  }
0xac: {  	_ =	shalt  }

// kernel: kernel.14.cloned.1.call-start
scs
__scs_entry_jumppad:
0x0: {  	(pc) =	sbr.rel $0x88, $3  }
0x1: {  	(tag) =	ssettag $0x0;
	lr =	simm.s32 $0x1  }
0x2: {  	[smem:$0x3F9B] =	sst lr;
	_ =	strace $0xD0000000  }
0x3: {  	_ = 	snop  }
0x4: {  	_ = 	snop  }
0x5: {  	_ = 	snop  }
0x6: {  	_ = 	snop  }
0x7: {  	_ = 	snop  }
__scs_overlays_trampoline_lowered:
0x8: {  	[smem:$0x3FAA] =	sst s0  }
0x9: {  	[smem:$0x3FAB] =	sst s1  }
0xa: {  	[smem:$0x3FAC] =	sst s2  }
0xb: {  	[smem:$0x3FAD] =	sst s3  }
0xc: {  	[smem:$0x3FAE] =	sst s4  }
0xd: {  	[smem:$0x3FAF] =	sst s5  }
0xe: {  	[smem:$0x3FB0] =	sst s6  }
0xf: {  	[smem:$0x3FB1] =	sst s7  }
0x10: {  	[smem:$0x3FB2] =	sst s8  }
0x11: {  	[smem:$0x3FB3] =	sst s9;
	s0 =	simm.s32 @!p0 $0x0  }
0x12: {  	s1 =	sld [smem:$0x3F99];
	s0 =	simm.s32 @p0 $0x1  }
0x13: {  	[smem:$0x3FB4] =	sst s0;
	s0 =	simm.s32 @!p1 $0x0  }
0x14: {  	s2 =	sld [smem:$0x3F98];
	s0 =	simm.s32 @p1 $0x1  }
0x15: {  	[smem:$0x3FB5] =	sst s0;
	s0 =	simm.s32 @!p2 $0x0  }
0x16: {  	s3 =	sld [smem:$0x3FDB];
	s0 =	simm.s32 @p2 $0x1  }
0x17: {  	s4 =	simm.s32 $0x1BF5;
	[smem:$0x3FB7] =	sst s0  }
0x18: {  	s0 =	sld [smem:$0x3F9A];
	_ =	swait.ge [sflag:s4], $0x0  }
0x19: {  	s7 =	sld [smem:$0x3F9B]  }
0x1a: {  	s8 =	sadd.s32 $0xFFFFE003, lr  }
0x1b: {  	s9 =	sadd.s32 $0xFFFFFEF7, lr;
	s5 =	simm.s32 $0xFFFFFFFF;
	p2 =	slt.u32 s8, $0xFFFFF086  }
0x1c: {  	p1 =	slt.u32 s9, $0xF7A;
	s5 =	simm.s32 @!p2 $0x0  }
0x1d: {  	s5 =	simm.s32 @p1 $0x1;
	p0 =	seq.s32 s7, s2  }
0x1e: {  	s7 =	smul.u32 @!p0 $0xF7A, s2;
	p2 =	seq.s32 @!p0 s5, $0x0  }
0x1f: {  	s9 =	smul.u32 $0xF7A, s1;
	s8 =	simm.s32 @!p0 $0x1BF5;
	p2 =	por !p2, p0  }
0x20: {  	[sflag:s8] =	ssyncset.s32 @!p0 $0xFFFFF086;
	s6 =	sadd.s32 @!p0 s3, s7;
	s7 =	simm.s32 @!p0 $0x108  }
0x21: {  	s3 =	sadd.s32 s3, s9;
	s6 =	sadd.s32 @!p0 $0x88, s6;
	s7 =	simm.s32 @p2 $0x1082  }
0x22: {  	[simem:s7], [sflag:s8] =	dma.local @!p0 [hbm:s6], $0xF7A  }
0x23: {  	s9 =	sor.u32 $0xD0000000, s2;
	s6 =	simm.s32 $0x108;
	_ =	swait.ge @!p0 [sflag:s8], $0x0  }
0x24: {  	s3 =	sadd.s32 $0x88, s3;
	s6 =	simm.s32 @!p1 $0x1082;
	[sflag:s4] =	ssyncset.s32 $0xFFFFF086  }
0x25: {  	[simem:s6], [sflag:s4] =	dma.local [hbm:s3], $0xF7A  }
0x26: {  	[smem:$0x3F9B] =	sst s1;
	(tag) =	ssettag s2;
	_ =	strace s9  }
0x27: {  	s1 =	sld [smem:$0x3FAB]  }
0x28: {  	s2 =	sld [smem:$0x3FAC]  }
0x29: {  	s4 =	sld [smem:$0x3FAE]  }
0x2a: {  	p0 =	seq.s32 s5, $0x0;
	s5 =	sld [smem:$0x3FAF]  }
0x2b: {  	s6 =	sld [smem:$0x3FB0]  }
0x2c: {  	s7 =	sld [smem:$0x3FB1]  }
0x2d: {  	s3 =	simm.s32 $0x108;
	s8 =	sld [smem:$0x3FB2]  }
0x2e: {  	s3 =	simm.s32 @!p0 $0x1082;
	s9 =	sld [smem:$0x3FB3]  }
0x2f: {  	lr =	sadd.s32 s0, s3;
	s0 =	sld [smem:$0x3FAA]  }
0x30: {  	s3 =	sld [smem:$0x3FAD]  }
0x31: {  	[smem:$0x3FB6] =	sst s10  }
0x32: {  	s10 =	sld [smem:$0x3FB4];
	_ =	sdelay $0x3  }
0x33: {  	p0 =	seq.s32 s10, $0x1;
	s10 =	sld [smem:$0x3FB6];
	_ =	sdelay $0x3  }
0x34: {  	[smem:$0x3FB6] =	sst s10  }
0x35: {  	s10 =	sld [smem:$0x3FB5];
	_ =	sdelay $0x3  }
0x36: {  	p1 =	seq.s32 s10, $0x1;
	s10 =	sld [smem:$0x3FB6];
	_ =	sdelay $0x3  }
0x37: {  	[smem:$0x3FB6] =	sst s10  }
0x38: {  	s10 =	sld [smem:$0x3FB7]  }
0x39: {  	_ = 	snop;
	(pc) =	sbr.ind lr, $3  }
0x3a: {  	_ = 	snop  }
0x3b: {  	_ = 	snop  }
0x3c: {  	p2 =	seq.s32 s10, $0x1;
	s10 =	sld [smem:$0x3FB6]  }
0x3d: {  	_ =	shalt  }
0x3e: {  	_ =	shalt  }
0x3f: {  	_ =	shalt  }
0x40: {  	_ =	shalt  }
0x41: {  	_ =	shalt  }
0x42: {  	_ =	shalt  }
0x43: {  	_ =	shalt  }
0x44: {  	_ =	shalt  }
0x45: {  	_ =	shalt  }
0x46: {  	_ =	shalt  }
0x47: {  	_ =	shalt  }
0x48: {  	_ =	shalt  }
0x49: {  	_ =	shalt  }
0x4a: {  	_ =	shalt  }
0x4b: {  	_ =	shalt  }
0x4c: {  	_ =	shalt  }
0x4d: {  	_ =	shalt  }
0x4e: {  	_ =	shalt  }
0x4f: {  	_ =	shalt  }
0x50: {  	_ =	shalt  }
0x51: {  	_ =	shalt  }
0x52: {  	_ =	shalt  }
0x53: {  	_ =	shalt  }
0x54: {  	_ =	shalt  }
0x55: {  	_ =	shalt  }
0x56: {  	_ =	shalt  }
0x57: {  	_ =	shalt  }
0x58: {  	_ =	shalt  }
0x59: {  	_ =	shalt  }
0x5a: {  	_ =	shalt  }
0x5b: {  	_ =	shalt  }
0x5c: {  	_ =	shalt  }
0x5d: {  	_ =	shalt  }
0x5e: {  	_ =	shalt  }
0x5f: {  	_ =	shalt  }
0x60: {  	_ =	shalt  }
0x61: {  	_ =	shalt  }
0x62: {  	_ =	shalt  }
0x63: {  	_ =	shalt  }
0x64: {  	_ =	shalt  }
0x65: {  	_ =	shalt  }
0x66: {  	_ =	shalt  }
0x67: {  	_ =	shalt  }
0x68: {  	_ =	shalt  }
0x69: {  	_ =	shalt  }
0x6a: {  	_ =	shalt  }
0x6b: {  	_ =	shalt  }
0x6c: {  	_ =	shalt  }
0x6d: {  	_ =	shalt  }
0x6e: {  	_ =	shalt  }
0x6f: {  	_ =	shalt  }
0x70: {  	_ =	shalt  }
0x71: {  	_ =	shalt  }
0x72: {  	_ =	shalt  }
0x73: {  	_ =	shalt  }
0x74: {  	_ =	shalt  }
0x75: {  	_ =	shalt  }
0x76: {  	_ =	shalt  }
0x77: {  	_ =	shalt  }
0x78: {  	_ =	shalt  }
0x79: {  	_ =	shalt  }
0x7a: {  	_ =	shalt  }
0x7b: {  	_ =	shalt  }
0x7c: {  	_ =	shalt  }
0x7d: {  	_ =	shalt  }
0x7e: {  	_ =	shalt  }
0x7f: {  	_ =	shalt  }
0x80: {  	_ =	shalt  }
0x81: {  	_ =	shalt  }
0x82: {  	_ =	shalt  }
0x83: {  	_ =	shalt  }
0x84: {  	_ =	shalt  }
0x85: {  	_ =	shalt  }
0x86: {  	_ =	shalt  }
0x87: {  	_ =	shalt  }
.Lfunc_end0:
.L_simem_size_0:
called_computation.2_lowered:
.L_overlay_start_0:
0x88: {  	s2 =	sld [smem:$0x3FD9]  }
0x89: {  	s3 =	sld [smem:$0x3FFE];
	_ =	sdelay $0x1  }
0x8a: {  	s1 =	srdreg.scid  }
0x8b: {  	s0 =	sand.u32 $0x1, s1  }
0x8c: {  	s17 =	sshll.u32 s0, $0xA;
	s2 =	sadd.s32 s3, s2  }
0x8d: {  	s2 =	sadd.s32 s2, s17  }
0x8e: {  	[smem:$0x3FC2] =	sst s2  }
0x8f: {  	_ = 	snop  }
0x90: {  	s2 =	sld [smem:$0x3FD0];
	(tm) =	ssettm $0x1  }
0x91: {  	s18 =	sld [smem:$0x3FFB];
	_ =	sdelay $0x3  }
0x92: {  	_ =	strace s18  }
0x93: {  	s3 =	sld [smem:$0x3FFC];
	_ =	sdelay $0x3  }
0x94: {  	_ =	strace s3  }
0x95: {  	s3 =	sld [smem:$0x3FFD];
	_ =	sdelay $0x3  }
0x96: {  	_ =	strace s3  }
0x97: {  	_ =	strace $0x8FFFFFFF  }
0x98: {  	s19 =	sld [smem:$0x3FDB];
	_ =	sdelay $0x1  }
0x99: {  	s4 =	simm.s32 $_scs_section_size  }
0x9a: {  	s5 =	simm.s32 $_size__tile_overlayer_lowered;
	s6 =	simm.s32 $_tile_overlayer_lowered  }
0x9b: {  	s22 =	simm.s32 $0x1BFF;
	s21 =	sshll.u32 s6, $0x1;
	s3 =	sadd.s32 s4, s19  }
0x9c: {  	s7 =	simm.s32 $0x0;
	s20 =	sshll.u32 s5, $0x1;
	s5 =	sadd.s32 s21, s3  }
0x9d: {  	[timem:s7], [sflag:s22] =	dma.local [hbm:s5], s20  }
0x9e: {  	_ =	swait.ge [sflag:s22], s20  }
0x9f: {  	s4 =	ssub.s32 $0x0, s20;
	[sflag:s22] =	ssyncset.done $0x0  }
0xa0: {  	[sflag:s22] =	ssyncadd.s32 s4;
	_ =	sdelay $0x1  }
0xa1: {  	s23 =	simm.s32 $0x1B8B  }
0xa2: {  	_ =	swait.ge [sflag:s23], $0x1  }
0xa3: {  	[sflag:s23] =	ssyncset.done $0x0  }
0xa4: {  	s25 =	simm.s32 $0x1B8E;
	s24 =	sld [smem:$0x3FFE];
	[sflag:s23] =	ssyncadd.s32 $0xFFFFFFFF  }
0xa5: {  	s26 =	simm.s32 $execute0_lowered;
	[smem:$0x3FD2] =	sst s25  }
0xa6: {  	s5 =	sshll.u32 s26, $0x1;
	_ =	strace $0x8000004C;
	[dreg:$0x1] =	wrdreg $0xFFFFFFFF  }
0xa7: {  	s28 =	simm.s32 $_size_execute0_lowered;
	s3 =	sadd.s32 s3, s5;
	[dreg:$0x0] =	wrdreg $0x0  }
0xa8: {  	s5 =	sshll.u32 s28, $0x1;
	[dreg:$0x2] =	wrdreg s3  }
0xa9: {  	[dreg:$0x3] =	wrdreg s5  }
0xaa: {  	[dreg:$0x4] =	wrdreg $0xC0  }
0xab: {  	_ =	task [dreg:s7], $0x5FFFF  }
0xac: {  	[dreg:$0x1] =	wrdreg $0xFFFFFFFF  }
0xad: {  	[dreg:$0x0] =	wrdreg $0x60  }
0xae: {  	[dreg:$0x2] =	wrdreg s24  }
0xaf: {  	[dreg:$0x3] =	wrdreg s2  }
0xb0: {  	[dreg:$0x4] =	wrdreg $0xA8000  }
0xb1: {  	[dreg:$0x5] =	wrdreg $0x9  }
0xb2: {  	_ =	task.clear_ibuf [dreg:s7], $0x6FFFF;
	_ =	strace $0x9000004C  }
0xb3: {  	s29 =	simm.s32 $0x9;
	_ =	strace $0x8000004E  }
0xb4: {  	_ =	swait.ge [sflag:s29], $0x1  }
0xb5: {  	[sflag:s29] =	ssyncadd.s32 $0xFFFFFFFF  }
0xb6: {  	_ =	strace $0x9000004E  }
0xb7: {  	_ =	sfence  }
0xb8: {  	s30 =	sld [smem:$0x0];
	_ =	sdelay $0x2  }
0xb9: {  	s31 =	sshll.u32 s1, $0xD;
	s1 =	sshrl.u32 s1, $0x2  }
0xba: {  	s3 =	sand.u32 $0x4000, s31;
	s1 =	sadd.s32 s1, s30  }
0xbb: {  	s0 =	sor.u32 s3, s0;
	s1 =	sshll.u32 s1, $0x11  }
0xbc: {  	s0 =	sor.u32 s1, s0  }
0xbd: {  	s0 =	sadd.s32 $0x8F2B, s0  }
0xbe: {  	[sflag:s0] =	ssyncadd.remote.s32 $0x1  }
0xbf: {  	_ =	sfence.sel $0xFFFF  }
0xc0: {  	[dreg:$0x0] =	wrdreg $0xFFFFFFFF;
	(pc) =	sbr.abs _section_cstart, $3  }
0xc1: {  	[dreg:$0x1] =	wrdreg $0xFFFFFFFF  }
0xc2: {  	_ =	task.clear_ibuf [dreg:s7], $0x2FFFF;
	_ =	strace $0x9FFFFFFF  }
0xc3: {  	(tm) =	ssettm $0x7FFFFFFF  }
tec
execute0_lowered:
.L_overlay_start_1:
0x0: {  	(tag) =	ssettag $0x1  }
0x1: {  	s5 =	rddreg [dreg:$0x0]  }
0x2: {  	s10 =	rddreg [dreg:$0x1]  }
0x3: {  	s1 =	srdreg.scid;
	s0 =	stileid.u32  }
0x4: {  	s2 =	rddreg [dreg:$0x2];
	s3 =	simm.s32 $0x0;
	s16 =	simm.s32 $0x80  }
0x5: {  	s17 =	simm.s32 $0x2800;
	s18 =	simm.s32 $0x6800;
	s19 =	simm.s32 $0x1  }
0x6: {  	s20 =	simm.s32 $0x2;
	s21 =	simm.s32 $0x1300;
	s22 =	simm.s32 $0x2700  }
0x7: {  	s6 =	sand.u32 $0x1, s1;
	s7 =	smul.u32 $0x14000, s0;
	s1 =	rddreg [dreg:$0x3]  }
0x8: {  	s23 =	simm.s32 $0x0;
	[smem:$0x7FF] =	sst s3;
	s12 =	smul.u32 $0x50000, s0  }
0x9: {  	s9 =	sadd.s32 $0x7AE00, s5;
	s30 =	sshll.u32 s0, $0x6;
	s4 =	smul.u32 $0x140000, s6  }
0xa: {  	_ =	strace $0x8000004D;
	s11 =	ssub.s32 $0x2, s6;
	s6 =	sshll.u32 s6, $0x4  }
0xb: {  	s25 =	sshrl.u32 s11, $0x1;
	s6 =	sor.u32 s0, s6;
	s26 =	sshrl.u32 s12, $0x2  }
0xc: {  	s29 =	sshrl.u32 s7, $0x3;
	s8 =	sadd.s32 s7, s4;
	s4 =	sadd.s32 $0x2600, s5  }
0xd: {  	s14 =	ssub.s32 s11, s25;
	s28 =	smul.u32 $0x2800, s6;
	s15 =	sadd.s32 s26, s2  }
0xe: {  	s6 =	sor.u32 $0x1C03, s30;
	s8 =	sshrl.u32 s8, $0x3;
	s12 =	smax.u32 s14, $0x1  }
0xf: {  	s14 =	simm.s32 $0x3;
	s13 =	sadd.s32 s8, s5;
	s31 =	sshrl.u32 s28, $0x3  }
0x10: {  	s5 =	sadd.s32 s4, s29;
	s7 =	sadd.s32 s9, s31;
	s11 =	sadd.s32 $0x280, s31  }
0x11: {  	s8 =	sadd.s32 s10, s31;
	s9 =	sadd.s32 s9, s11;
	s10 =	sadd.s32 s10, s11  }
0x12: {  	s11 =	sadd.s32 $0x2A600, s13;
	s13 =	sshrl.u32 s15, $0x3;
	s15 =	simm.s32 $0x1400  }
.LBB2_1:
0x13: {  	[spmem:s13], [sflag:s6] =	dma.local [hbm:s5], $0x2800  }
0x14: {  	_ =	swait.ge [sflag:s14], $0x2800  }
0x15: {  	[sflag:s14] =	ssyncset.done $0x0  }
0x16: {  	[sflag:s14] =	ssyncadd.s32 $0xFFFFD800  }
0x17: {  	[bflag:$0x0] =	sbarrier.arrive $0xFFFF  }
0x18: {  	[tilespmem:s3], [sflag:$0x3] =	stream.linear.gather [hbm4b:s7+s3], $0x1400, $0x38;
	[tilespmem:$0x1E800] =	vst v63  }
0x19: {  	_ =	swait.ge [sflag:s14], $0x1400  }
0x1a: {  	[sflag:s14] =	ssyncset.done $0x0  }
0x1b: {  	[sflag:s14] =	ssyncadd.s32 $0xFFFFEC00  }
0x1c: {  	[tilespmem:s15], [sflag:$0x3] =	stream.linear.gather [hbm4b:s8+s3], $0x1400, $0x38;
	[tilespmem:$0x1E800] =	vst v63  }
0x1d: {  	_ =	swait.ge [sflag:s14], $0x1400  }
0x1e: {  	[sflag:s14] =	ssyncset.done $0x0  }
0x1f: {  	s24 =	simm.s32 $0x0;
	[sflag:s14] =	ssyncadd.s32 $0xFFFFEC00  }
0x20: {  	[tilespmem:s17], [sflag:$0x1] =	stream.indirect.gather [hbm4b:s4+s16], $0x80, s24, s16, $0xb8;
	[tilespmem:$0x1E800] =	vst v63  }
0x21: {  	s29 =	simm.s32 $0x80  }
0x22: {  	[tilespmem:s18], [sflag:$0x2] =	stream.indirect.gather [hbm4b:s4+s16], $0x80, s29, s16, $0xb8;
	[tilespmem:$0x1E800] =	vst v63  }
0x23: {  	_ =	swait.ge [sflag:s19], $0x4000  }
0x24: {  	[sflag:s19] =	ssyncset.done $0x0  }
0x25: {  	s30 =	simm.s32 $0x1400;
	[sflag:s19] =	ssyncadd.s32 $0xFFFFC000  }
0x26: {  	[spmem:s2] =	stream.indirect.scatter.add.f32 [tilespmem:s17], [sflag:$0x3], $0x80, s30, s16, $0xb8;
	[tilespmem:$0x1E800] =	vst v63  }
0x27: {  	_ =	swait.ge [sflag:s14], $0x4000  }
0x28: {  	[sflag:s14] =	ssyncset.done $0x0  }
0x29: {  	[sflag:s14] =	ssyncadd.s32 $0xFFFFC000  }
0x2a: {  	_ =	swait.ge [sflag:s20], $0x4000  }
0x2b: {  	[sflag:s20] =	ssyncset.done $0x0  }
0x2c: {  	s31 =	simm.s32 $0x1480;
	[sflag:s20] =	ssyncadd.s32 $0xFFFFC000  }
0x2d: {  	[spmem:s2] =	stream.indirect.scatter.add.f32 [tilespmem:s18], [sflag:$0x3], $0x80, s31, s16, $0xb8;
	[tilespmem:$0x1E800] =	vst v63  }
0x2e: {  	_ =	swait.ge [sflag:s14], $0x4000  }
0x2f: {  	s25 =	simm.s32 $0x800;
	s24 =	simm.s32 $0x400;
	[sflag:s14] =	ssyncset.done $0x0  }
.LBB2_2:
0x30: {  	s26 =	sshra.s32 s24, $0x2  }
0x31: {  	[sflag:s14] =	ssyncadd.s32 $0xFFFFC000;
	s24 =	smov.u32 s25;
	s28 =	sadd.s32 $0x400, s25  }
0x32: {  	[tilespmem:s17], [sflag:$0x1] =	stream.indirect.gather [hbm4b:s4+s16], $0x80, s26, s16, $0xb8;
	[tilespmem:$0x1E800] =	vst v63  }
0x33: {  	p0 =	sne.s32 s25, $0x4C00;
	s25 =	sadd.s32 $0x80, s26  }
0x34: {  	[tilespmem:s18], [sflag:$0x2] =	stream.indirect.gather [hbm4b:s4+s16], $0x80, s25, s16, $0xb8;
	[tilespmem:$0x1E800] =	vst v63  }
0x35: {  	_ =	swait.ge [sflag:s19], $0x4000  }
0x36: {  	[sflag:s19] =	ssyncset.done $0x0  }
0x37: {  	s25 =	sadd.s32 $0x1400, s26;
	[sflag:s19] =	ssyncadd.s32 $0xFFFFC000  }
0x38: {  	[spmem:s2] =	stream.indirect.scatter.add.f32 [tilespmem:s17], [sflag:$0x3], $0x80, s25, s16, $0xb8;
	[tilespmem:$0x1E800] =	vst v63  }
0x39: {  	_ =	swait.ge [sflag:s14], $0x4000  }
0x3a: {  	[sflag:s14] =	ssyncset.done $0x0  }
0x3b: {  	[sflag:s14] =	ssyncadd.s32 $0xFFFFC000  }
0x3c: {  	_ =	swait.ge [sflag:s20], $0x4000  }
.Ltmp0:
0x3d: {  	[sflag:s20] =	ssyncset.done $0x0;
	(pc) =	sbr.rel @p0 .LBB2_2-.Ltmp0, $4  }
0x3e: {  	s25 =	sadd.s32 $0x1480, s26;
	[sflag:s20] =	ssyncadd.s32 $0xFFFFC000  }
0x3f: {  	[spmem:s2] =	stream.indirect.scatter.add.f32 [tilespmem:s18], [sflag:$0x3], $0x80, s25, s16, $0xb8;
	[tilespmem:$0x1E800] =	vst v63  }
0x40: {  	_ =	swait.ge [sflag:s14], $0x4000  }
0x41: {  	s25 =	smov.u32 s28;
	[sflag:s14] =	ssyncset.done $0x0  }
0x42: {  	s24 =	sshra.s32 s24, $0x2;
	[sflag:s14] =	ssyncadd.s32 $0xFFFFC000  }
0x43: {  	[tilespmem:s17], [sflag:$0x1] =	stream.indirect.gather [hbm4b:s4+s16], $0x80, s24, s16, $0xb8;
	[tilespmem:$0x1E800] =	vst v63  }
0x44: {  	s25 =	sadd.s32 $0x80, s24  }
0x45: {  	[tilespmem:s18], [sflag:$0x2] =	stream.indirect.gather [hbm4b:s4+s16], $0x80, s25, s16, $0xb8;
	[tilespmem:$0x1E800] =	vst v63  }
0x46: {  	_ =	swait.ge [sflag:s19], $0x4000  }
0x47: {  	[sflag:s19] =	ssyncset.done $0x0  }
0x48: {  	s31 =	sadd.s32 $0x1400, s24;
	[sflag:s19] =	ssyncadd.s32 $0xFFFFC000  }
0x49: {  	[spmem:s2] =	stream.indirect.scatter.add.f32 [tilespmem:s17], [sflag:$0x3], $0x80, s31, s16, $0xb8;
	[tilespmem:$0x1E800] =	vst v63  }
0x4a: {  	_ =	swait.ge [sflag:s14], $0x4000  }
0x4b: {  	[sflag:s14] =	ssyncset.done $0x0  }
0x4c: {  	[sflag:s14] =	ssyncadd.s32 $0xFFFFC000  }
0x4d: {  	_ =	swait.ge [sflag:s20], $0x4000  }
0x4e: {  	[sflag:s20] =	ssyncset.done $0x0  }
0x4f: {  	s24 =	sadd.s32 $0x1480, s24;
	[sflag:s20] =	ssyncadd.s32 $0xFFFFC000  }
0x50: {  	[spmem:s2] =	stream.indirect.scatter.add.f32 [tilespmem:s18], [sflag:$0x3], $0x80, s24, s16, $0xb8;
	[tilespmem:$0x1E800] =	vst v63  }
0x51: {  	_ =	swait.ge [sflag:s14], $0x4000  }
0x52: {  	[sflag:s14] =	ssyncset.done $0x0  }
0x53: {  	s26 =	simm.s32 $0x0;
	[sflag:s14] =	ssyncadd.s32 $0xFFFFC000  }
0x54: {  	[tilespmem:s26], [sflag:$0x3] =	stream.linear.gather [hbm4b:s9+s26], $0x1400, $0x38;
	[tilespmem:$0x1E800] =	vst v63  }
0x55: {  	_ =	swait.ge [sflag:s14], $0x1400  }
0x56: {  	[sflag:s14] =	ssyncset.done $0x0  }
0x57: {  	[sflag:s14] =	ssyncadd.s32 $0xFFFFEC00  }
0x58: {  	[tilespmem:s15], [sflag:$0x3] =	stream.linear.gather [hbm4b:s10+s26], $0x1400, $0x38;
	[tilespmem:$0x1E800] =	vst v63  }
0x59: {  	_ =	swait.ge [sflag:s14], $0x1400  }
0x5a: {  	[sflag:s14] =	ssyncset.done $0x0  }
0x5b: {  	s28 =	simm.s32 $0x0;
	[sflag:s14] =	ssyncadd.s32 $0xFFFFEC00  }
0x5c: {  	[tilespmem:s17], [sflag:$0x1] =	stream.indirect.gather [hbm4b:s4+s16], $0x80, s28, s16, $0xb8;
	[tilespmem:$0x1E800] =	vst v63  }
0x5d: {  	s29 =	simm.s32 $0x80  }
0x5e: {  	[tilespmem:s18], [sflag:$0x2] =	stream.indirect.gather [hbm4b:s4+s16], $0x80, s29, s16, $0xb8;
	[tilespmem:$0x1E800] =	vst v63  }
0x5f: {  	_ =	swait.ge [sflag:s19], $0x4000  }
0x60: {  	[sflag:s19] =	ssyncset.done $0x0  }
0x61: {  	s30 =	simm.s32 $0x1400;
	[sflag:s19] =	ssyncadd.s32 $0xFFFFC000  }
0x62: {  	[spmem:s2] =	stream.indirect.scatter.add.f32 [tilespmem:s17], [sflag:$0x3], $0x80, s30, s16, $0xb8;
	[tilespmem:$0x1E800] =	vst v63  }
0x63: {  	_ =	swait.ge [sflag:s14], $0x4000  }
0x64: {  	[sflag:s14] =	ssyncset.done $0x0  }
0x65: {  	[sflag:s14] =	ssyncadd.s32 $0xFFFFC000  }
0x66: {  	_ =	swait.ge [sflag:s20], $0x4000  }
0x67: {  	[sflag:s20] =	ssyncset.done $0x0  }
0x68: {  	s31 =	simm.s32 $0x1480;
	[sflag:s20] =	ssyncadd.s32 $0xFFFFC000  }
0x69: {  	[spmem:s2] =	stream.indirect.scatter.add.f32 [tilespmem:s18], [sflag:$0x3], $0x80, s31, s16, $0xb8;
	[tilespmem:$0x1E800] =	vst v63  }
0x6a: {  	_ =	swait.ge [sflag:s14], $0x4000  }
0x6b: {  	s25 =	simm.s32 $0x800;
	s24 =	simm.s32 $0x400;
	[sflag:s14] =	ssyncset.done $0x0  }
.LBB2_4:
0x6c: {  	s26 =	sshra.s32 s24, $0x2  }
0x6d: {  	[sflag:s14] =	ssyncadd.s32 $0xFFFFC000;
	s24 =	smov.u32 s25;
	s28 =	sadd.s32 $0x400, s25  }
0x6e: {  	[tilespmem:s17], [sflag:$0x1] =	stream.indirect.gather [hbm4b:s4+s16], $0x80, s26, s16, $0xb8;
	[tilespmem:$0x1E800] =	vst v63  }
0x6f: {  	p0 =	sne.s32 s25, $0x4800;
	s25 =	sadd.s32 $0x80, s26  }
0x70: {  	[tilespmem:s18], [sflag:$0x2] =	stream.indirect.gather [hbm4b:s4+s16], $0x80, s25, s16, $0xb8;
	[tilespmem:$0x1E800] =	vst v63  }
0x71: {  	_ =	swait.ge [sflag:s19], $0x4000  }
0x72: {  	[sflag:s19] =	ssyncset.done $0x0  }
0x73: {  	s25 =	sadd.s32 $0x1400, s26;
	[sflag:s19] =	ssyncadd.s32 $0xFFFFC000  }
0x74: {  	[spmem:s2] =	stream.indirect.scatter.add.f32 [tilespmem:s17], [sflag:$0x3], $0x80, s25, s16, $0xb8;
	[tilespmem:$0x1E800] =	vst v63  }
0x75: {  	_ =	swait.ge [sflag:s14], $0x4000  }
0x76: {  	[sflag:s14] =	ssyncset.done $0x0  }
0x77: {  	[sflag:s14] =	ssyncadd.s32 $0xFFFFC000  }
0x78: {  	_ =	swait.ge [sflag:s20], $0x4000  }
.Ltmp1:
0x79: {  	[sflag:s20] =	ssyncset.done $0x0;
	(pc) =	sbr.rel @p0 .LBB2_4-.Ltmp1, $4  }
0x7a: {  	s25 =	sadd.s32 $0x1480, s26;
	[sflag:s20] =	ssyncadd.s32 $0xFFFFC000  }
0x7b: {  	[spmem:s2] =	stream.indirect.scatter.add.f32 [tilespmem:s18], [sflag:$0x3], $0x80, s25, s16, $0xb8;
	[tilespmem:$0x1E800] =	vst v63  }
0x7c: {  	_ =	swait.ge [sflag:s14], $0x4000  }
0x7d: {  	s25 =	smov.u32 s28;
	[sflag:s14] =	ssyncset.done $0x0  }
0x7e: {  	s24 =	sshra.s32 s24, $0x2;
	[sflag:s14] =	ssyncadd.s32 $0xFFFFC000  }
0x7f: {  	[tilespmem:s17], [sflag:$0x1] =	stream.indirect.gather [hbm4b:s4+s16], $0x80, s24, s16, $0xb8;
	[tilespmem:$0x1E800] =	vst v63  }
0x80: {  	s25 =	sadd.s32 $0x80, s24  }
0x81: {  	[tilespmem:s18], [sflag:$0x2] =	stream.indirect.gather [hbm4b:s4+s16], $0x80, s25, s16, $0xb8;
	[tilespmem:$0x1E800] =	vst v63  }
0x82: {  	_ =	swait.ge [sflag:s19], $0x4000  }
0x83: {  	[sflag:s19] =	ssyncset.done $0x0  }
0x84: {  	s31 =	sadd.s32 $0x1400, s24;
	[sflag:s19] =	ssyncadd.s32 $0xFFFFC000  }
0x85: {  	[spmem:s2] =	stream.indirect.scatter.add.f32 [tilespmem:s17], [sflag:$0x3], $0x80, s31, s16, $0xb8;
	[tilespmem:$0x1E800] =	vst v63  }
0x86: {  	_ =	swait.ge [sflag:s14], $0x4000  }
0x87: {  	[sflag:s14] =	ssyncset.done $0x0  }
0x88: {  	[sflag:s14] =	ssyncadd.s32 $0xFFFFC000  }
0x89: {  	_ =	swait.ge [sflag:s20], $0x4000  }
0x8a: {  	[sflag:s20] =	ssyncset.done $0x0  }
0x8b: {  	s24 =	sadd.s32 $0x1480, s24;
	[sflag:s20] =	ssyncadd.s32 $0xFFFFC000  }
0x8c: {  	[spmem:s2] =	stream.indirect.scatter.add.f32 [tilespmem:s18], [sflag:$0x3], $0x80, s24, s16, $0xb8;
	[tilespmem:$0x1E800] =	vst v63  }
0x8d: {  	_ =	swait.ge [sflag:s14], $0x4000  }
0x8e: {  	[sflag:s14] =	ssyncset.done $0x0  }
0x8f: {  	[sflag:s14] =	ssyncadd.s32 $0xFFFFC000  }
0x90: {  	[tilespmem:s17], [sflag:$0x1] =	stream.indirect.gather [hbm4b:s4+s16], $0x80, s21, s16, $0xb8;
	[tilespmem:$0x1E800] =	vst v63  }
0x91: {  	_ =	swait.ge [sflag:s19], $0x4000  }
0x92: {  	[sflag:s19] =	ssyncset.done $0x0  }
0x93: {  	[sflag:s19] =	ssyncadd.s32 $0xFFFFC000  }
0x94: {  	[spmem:s2] =	stream.indirect.scatter.add.f32 [tilespmem:s17], [sflag:$0x3], $0x80, s22, s16, $0xb8;
	[tilespmem:$0x1E800] =	vst v63  }
0x95: {  	_ =	swait.ge [sflag:s14], $0x4000  }
0x96: {  	s23 =	sadd.s32 $0x1, s23;
	[sflag:s14] =	ssyncset.done $0x0  }
0x97: {  	p0 =	sne.s32 s23, s12;
	[sflag:s14] =	ssyncadd.s32 $0xFFFFC000  }
.Ltmp2:
0x98: {  	[bflag:$0x0] =	sbarrier.arrive $0xFFFF;
	(pc) =	sbr.rel @p0 .LBB2_1-.Ltmp2, $4  }
0x99: {  	[hbm:s11], [sflag:s6] =	dma.local [spmem:s13], $0x2800  }
0x9a: {  	_ =	swait.ge [sflag:s14], $0x2800  }
0x9b: {  	[sflag:s14] =	ssyncset.done $0x0  }
0x9c: {  	[sflag:s14] =	ssyncadd.s32 $0xFFFFD800  }
0x9d: {  	_ =	sfence.sel $0x180000  }
0x9e: {  	[bflag:$0x0] =	sbarrier.arrive $0xFFFF  }
0x9f: {  	p0 =	sne.s32 s0, $0x0;
	_ =	strace $0x9000004D  }
0xa0: {  	s0 =	sadd.s32 @!p0 $0x100000, s1;
	[bflag:$0x2] =	sbarrier.arrive $0xFFFF  }
0xa1: {  	[sflag:s0] =	ssyncadd.tile.s32 @!p0 $0x1;
	_ =	shalt  }
.Lfunc_end2:
_tile_overlayer_lowered:
.L_overlay_start_2:
0xa2: {  	(tag) =	ssettag $0x2  }
0xa3: {  	s0 =	rddreg [dreg:$0x0];
	s2 =	stileid.u32  }
0xa4: {  	s1 =	rddreg [dreg:$0x1];
	p0 =	sne.s32 s2, $0x0  }
0xa5: {  	s3 =	rddreg [dreg:$0x2];
	[bflag:$0x3] =	sbarrier.arrive $0xFFFF;
	s2 =	simm.s32 @!p0 $0x1C03  }
0xa6: {  	[timem:s3], [sflag:s2] =	dma.local @!p0 [hbm:s0], s1  }
0xa7: {  	s0 =	simm.s32 @!p0 $0x3  }
0xa8: {  	_ =	swait.ge @!p0 [sflag:s0], s1  }
0xa9: {  	s1 =	ssub.s32 @!p0 $0x0, s1;
	[sflag:s0] =	ssyncset.done @!p0 $0x0  }
0xaa: {  	[sflag:s0] =	ssyncadd.s32 @!p0 s1  }
0xab: {  	[bflag:$0x3] =	sbarrier.arrive $0xFFFF  }
0xac: {  	_ =	shalt  }

// kernel: kernel.8.cloned.1.call-start
scs
__scs_entry_jumppad:
0x0: {  	(pc) =	sbr.rel $0x88, $3  }
0x1: {  	(tag) =	ssettag $0x0;
	lr =	simm.s32 $0x1  }
0x2: {  	[smem:$0x3F9B] =	sst lr;
	_ =	strace $0xD0000000  }
0x3: {  	_ = 	snop  }
0x4: {  	_ = 	snop  }
0x5: {  	_ = 	snop  }
0x6: {  	_ = 	snop  }
0x7: {  	_ = 	snop  }
__scs_overlays_trampoline_lowered:
0x8: {  	[smem:$0x3FAA] =	sst s0  }
0x9: {  	[smem:$0x3FAB] =	sst s1  }
0xa: {  	[smem:$0x3FAC] =	sst s2  }
0xb: {  	[smem:$0x3FAD] =	sst s3  }
0xc: {  	[smem:$0x3FAE] =	sst s4  }
0xd: {  	[smem:$0x3FAF] =	sst s5  }
0xe: {  	[smem:$0x3FB0] =	sst s6  }
0xf: {  	[smem:$0x3FB1] =	sst s7  }
0x10: {  	[smem:$0x3FB2] =	sst s8  }
0x11: {  	[smem:$0x3FB3] =	sst s9;
	s0 =	simm.s32 @!p0 $0x0  }
0x12: {  	s1 =	sld [smem:$0x3F99];
	s0 =	simm.s32 @p0 $0x1  }
0x13: {  	[smem:$0x3FB4] =	sst s0;
	s0 =	simm.s32 @!p1 $0x0  }
0x14: {  	s2 =	sld [smem:$0x3F98];
	s0 =	simm.s32 @p1 $0x1  }
0x15: {  	[smem:$0x3FB5] =	sst s0;
	s0 =	simm.s32 @!p2 $0x0  }
0x16: {  	s3 =	sld [smem:$0x3FDB];
	s0 =	simm.s32 @p2 $0x1  }
0x17: {  	s4 =	simm.s32 $0x1BF5;
	[smem:$0x3FB7] =	sst s0  }
0x18: {  	s0 =	sld [smem:$0x3F9A];
	_ =	swait.ge [sflag:s4], $0x0  }
0x19: {  	s7 =	sld [smem:$0x3F9B]  }
0x1a: {  	s8 =	sadd.s32 $0xFFFFE003, lr  }
0x1b: {  	s9 =	sadd.s32 $0xFFFFFEF7, lr;
	s5 =	simm.s32 $0xFFFFFFFF;
	p2 =	slt.u32 s8, $0xFFFFF086  }
0x1c: {  	p1 =	slt.u32 s9, $0xF7A;
	s5 =	simm.s32 @!p2 $0x0  }
0x1d: {  	s5 =	simm.s32 @p1 $0x1;
	p0 =	seq.s32 s7, s2  }
0x1e: {  	s7 =	smul.u32 @!p0 $0xF7A, s2;
	p2 =	seq.s32 @!p0 s5, $0x0  }
0x1f: {  	s9 =	smul.u32 $0xF7A, s1;
	s8 =	simm.s32 @!p0 $0x1BF5;
	p2 =	por !p2, p0  }
0x20: {  	[sflag:s8] =	ssyncset.s32 @!p0 $0xFFFFF086;
	s6 =	sadd.s32 @!p0 s3, s7;
	s7 =	simm.s32 @!p0 $0x108  }
0x21: {  	s3 =	sadd.s32 s3, s9;
	s6 =	sadd.s32 @!p0 $0x88, s6;
	s7 =	simm.s32 @p2 $0x1082  }
0x22: {  	[simem:s7], [sflag:s8] =	dma.local @!p0 [hbm:s6], $0xF7A  }
0x23: {  	s9 =	sor.u32 $0xD0000000, s2;
	s6 =	simm.s32 $0x108;
	_ =	swait.ge @!p0 [sflag:s8], $0x0  }
0x24: {  	s3 =	sadd.s32 $0x88, s3;
	s6 =	simm.s32 @!p1 $0x1082;
	[sflag:s4] =	ssyncset.s32 $0xFFFFF086  }
0x25: {  	[simem:s6], [sflag:s4] =	dma.local [hbm:s3], $0xF7A  }
0x26: {  	[smem:$0x3F9B] =	sst s1;
	(tag) =	ssettag s2;
	_ =	strace s9  }
0x27: {  	s1 =	sld [smem:$0x3FAB]  }
0x28: {  	s2 =	sld [smem:$0x3FAC]  }
0x29: {  	s4 =	sld [smem:$0x3FAE]  }
0x2a: {  	p0 =	seq.s32 s5, $0x0;
	s5 =	sld [smem:$0x3FAF]  }
0x2b: {  	s6 =	sld [smem:$0x3FB0]  }
0x2c: {  	s7 =	sld [smem:$0x3FB1]  }
0x2d: {  	s3 =	simm.s32 $0x108;
	s8 =	sld [smem:$0x3FB2]  }
0x2e: {  	s3 =	simm.s32 @!p0 $0x1082;
	s9 =	sld [smem:$0x3FB3]  }
0x2f: {  	lr =	sadd.s32 s0, s3;
	s0 =	sld [smem:$0x3FAA]  }
0x30: {  	s3 =	sld [smem:$0x3FAD]  }
0x31: {  	[smem:$0x3FB6] =	sst s10  }
0x32: {  	s10 =	sld [smem:$0x3FB4];
	_ =	sdelay $0x3  }
0x33: {  	p0 =	seq.s32 s10, $0x1;
	s10 =	sld [smem:$0x3FB6];
	_ =	sdelay $0x3  }
0x34: {  	[smem:$0x3FB6] =	sst s10  }
0x35: {  	s10 =	sld [smem:$0x3FB5];
	_ =	sdelay $0x3  }
0x36: {  	p1 =	seq.s32 s10, $0x1;
	s10 =	sld [smem:$0x3FB6];
	_ =	sdelay $0x3  }
0x37: {  	[smem:$0x3FB6] =	sst s10  }
0x38: {  	s10 =	sld [smem:$0x3FB7]  }
0x39: {  	_ = 	snop;
	(pc) =	sbr.ind lr, $3  }
0x3a: {  	_ = 	snop  }
0x3b: {  	_ = 	snop  }
0x3c: {  	p2 =	seq.s32 s10, $0x1;
	s10 =	sld [smem:$0x3FB6]  }
0x3d: {  	_ =	shalt  }
0x3e: {  	_ =	shalt  }
0x3f: {  	_ =	shalt  }
0x40: {  	_ =	shalt  }
0x41: {  	_ =	shalt  }
0x42: {  	_ =	shalt  }
0x43: {  	_ =	shalt  }
0x44: {  	_ =	shalt  }
0x45: {  	_ =	shalt  }
0x46: {  	_ =	shalt  }
0x47: {  	_ =	shalt  }
0x48: {  	_ =	shalt  }
0x49: {  	_ =	shalt  }
0x4a: {  	_ =	shalt  }
0x4b: {  	_ =	shalt  }
0x4c: {  	_ =	shalt  }
0x4d: {  	_ =	shalt  }
0x4e: {  	_ =	shalt  }
0x4f: {  	_ =	shalt  }
0x50: {  	_ =	shalt  }
0x51: {  	_ =	shalt  }
0x52: {  	_ =	shalt  }
0x53: {  	_ =	shalt  }
0x54: {  	_ =	shalt  }
0x55: {  	_ =	shalt  }
0x56: {  	_ =	shalt  }
0x57: {  	_ =	shalt  }
0x58: {  	_ =	shalt  }
0x59: {  	_ =	shalt  }
0x5a: {  	_ =	shalt  }
0x5b: {  	_ =	shalt  }
0x5c: {  	_ =	shalt  }
0x5d: {  	_ =	shalt  }
0x5e: {  	_ =	shalt  }
0x5f: {  	_ =	shalt  }
0x60: {  	_ =	shalt  }
0x61: {  	_ =	shalt  }
0x62: {  	_ =	shalt  }
0x63: {  	_ =	shalt  }
0x64: {  	_ =	shalt  }
0x65: {  	_ =	shalt  }
0x66: {  	_ =	shalt  }
0x67: {  	_ =	shalt  }
0x68: {  	_ =	shalt  }
0x69: {  	_ =	shalt  }
0x6a: {  	_ =	shalt  }
0x6b: {  	_ =	shalt  }
0x6c: {  	_ =	shalt  }
0x6d: {  	_ =	shalt  }
0x6e: {  	_ =	shalt  }
0x6f: {  	_ =	shalt  }
0x70: {  	_ =	shalt  }
0x71: {  	_ =	shalt  }
0x72: {  	_ =	shalt  }
0x73: {  	_ =	shalt  }
0x74: {  	_ =	shalt  }
0x75: {  	_ =	shalt  }
0x76: {  	_ =	shalt  }
0x77: {  	_ =	shalt  }
0x78: {  	_ =	shalt  }
0x79: {  	_ =	shalt  }
0x7a: {  	_ =	shalt  }
0x7b: {  	_ =	shalt  }
0x7c: {  	_ =	shalt  }
0x7d: {  	_ =	shalt  }
0x7e: {  	_ =	shalt  }
0x7f: {  	_ =	shalt  }
0x80: {  	_ =	shalt  }
0x81: {  	_ =	shalt  }
0x82: {  	_ =	shalt  }
0x83: {  	_ =	shalt  }
0x84: {  	_ =	shalt  }
0x85: {  	_ =	shalt  }
0x86: {  	_ =	shalt  }
0x87: {  	_ =	shalt  }
.Lfunc_end0:
.L_simem_size_0:
called_computation_lowered:
.L_overlay_start_0:
0x88: {  	s2 =	sld [smem:$0x3FD9]  }
0x89: {  	s3 =	sld [smem:$0x3FFE];
	_ =	sdelay $0x1  }
0x8a: {  	s1 =	srdreg.scid  }
0x8b: {  	s0 =	sand.u32 $0x1, s1  }
0x8c: {  	s17 =	sshll.u32 s0, $0xA;
	s2 =	sadd.s32 s3, s2  }
0x8d: {  	s2 =	sadd.s32 s2, s17  }
0x8e: {  	[smem:$0x3FC2] =	sst s2  }
0x8f: {  	_ = 	snop  }
0x90: {  	s2 =	sld [smem:$0x3FD0];
	(tm) =	ssettm $0x1  }
0x91: {  	s18 =	sld [smem:$0x3FFB];
	_ =	sdelay $0x3  }
0x92: {  	_ =	strace s18  }
0x93: {  	s3 =	sld [smem:$0x3FFC];
	_ =	sdelay $0x3  }
0x94: {  	_ =	strace s3  }
0x95: {  	s3 =	sld [smem:$0x3FFD];
	_ =	sdelay $0x3  }
0x96: {  	_ =	strace s3  }
0x97: {  	_ =	strace $0x8FFFFFFF  }
0x98: {  	s19 =	sld [smem:$0x3FDB];
	_ =	sdelay $0x1  }
0x99: {  	s4 =	simm.s32 $_scs_section_size  }
0x9a: {  	s5 =	simm.s32 $_size__tile_overlayer_lowered;
	s6 =	simm.s32 $_tile_overlayer_lowered  }
0x9b: {  	s22 =	simm.s32 $0x1BFF;
	s21 =	sshll.u32 s6, $0x1;
	s3 =	sadd.s32 s4, s19  }
0x9c: {  	s7 =	simm.s32 $0x0;
	s20 =	sshll.u32 s5, $0x1;
	s5 =	sadd.s32 s21, s3  }
0x9d: {  	[timem:s7], [sflag:s22] =	dma.local [hbm:s5], s20  }
0x9e: {  	_ =	swait.ge [sflag:s22], s20  }
0x9f: {  	s4 =	ssub.s32 $0x0, s20;
	[sflag:s22] =	ssyncset.done $0x0  }
0xa0: {  	[sflag:s22] =	ssyncadd.s32 s4;
	_ =	sdelay $0x1  }
0xa1: {  	s23 =	simm.s32 $0x1B8B  }
0xa2: {  	_ =	swait.ge [sflag:s23], $0x1  }
0xa3: {  	[sflag:s23] =	ssyncset.done $0x0  }
0xa4: {  	s25 =	simm.s32 $0x1B8E;
	s24 =	sld [smem:$0x3FFE];
	[sflag:s23] =	ssyncadd.s32 $0xFFFFFFFF  }
0xa5: {  	s26 =	simm.s32 $execute0_lowered;
	[smem:$0x3FD2] =	sst s25  }
0xa6: {  	s5 =	sshll.u32 s26, $0x1;
	_ =	strace $0x80000046;
	[dreg:$0x1] =	wrdreg $0xFFFFFFFF  }
0xa7: {  	s28 =	simm.s32 $_size_execute0_lowered;
	s3 =	sadd.s32 s3, s5;
	[dreg:$0x0] =	wrdreg $0x0  }
0xa8: {  	s5 =	sshll.u32 s28, $0x1;
	[dreg:$0x2] =	wrdreg s3  }
0xa9: {  	[dreg:$0x3] =	wrdreg s5  }
0xaa: {  	[dreg:$0x4] =	wrdreg $0xC0  }
0xab: {  	_ =	task [dreg:s7], $0x5FFFF  }
0xac: {  	[dreg:$0x1] =	wrdreg $0xFFFFFFFF  }
0xad: {  	[dreg:$0x0] =	wrdreg $0x60  }
0xae: {  	[dreg:$0x2] =	wrdreg s2  }
0xaf: {  	[dreg:$0x3] =	wrdreg s24  }
0xb0: {  	[dreg:$0x4] =	wrdreg $0x68000  }
0xb1: {  	[dreg:$0x5] =	wrdreg $0x9  }
0xb2: {  	_ =	task.clear_ibuf [dreg:s7], $0x6FFFF;
	_ =	strace $0x90000046  }
0xb3: {  	s29 =	simm.s32 $0x9;
	_ =	strace $0x80000048  }
0xb4: {  	_ =	swait.ge [sflag:s29], $0x1  }
0xb5: {  	[sflag:s29] =	ssyncadd.s32 $0xFFFFFFFF  }
0xb6: {  	_ =	strace $0x90000048  }
0xb7: {  	_ =	sfence  }
0xb8: {  	s30 =	sld [smem:$0x0];
	_ =	sdelay $0x2  }
0xb9: {  	s31 =	sshll.u32 s1, $0xD;
	s1 =	sshrl.u32 s1, $0x2  }
0xba: {  	s3 =	sand.u32 $0x4000, s31;
	s1 =	sadd.s32 s1, s30  }
0xbb: {  	s0 =	sor.u32 s3, s0;
	s1 =	sshll.u32 s1, $0x11  }
0xbc: {  	s0 =	sor.u32 s1, s0  }
0xbd: {  	s0 =	sadd.s32 $0x8F2B, s0  }
0xbe: {  	[sflag:s0] =	ssyncadd.remote.s32 $0x1  }
0xbf: {  	_ =	sfence.sel $0xFFFF  }
0xc0: {  	[dreg:$0x0] =	wrdreg $0xFFFFFFFF;
	(pc) =	sbr.abs _section_cstart, $3  }
0xc1: {  	[dreg:$0x1] =	wrdreg $0xFFFFFFFF  }
0xc2: {  	_ =	task.clear_ibuf [dreg:s7], $0x2FFFF;
	_ =	strace $0x9FFFFFFF  }
0xc3: {  	(tm) =	ssettm $0x7FFFFFFF  }
tec
execute0_lowered:
.L_overlay_start_1:
0x0: {  	(tag) =	ssettag $0x1  }
0x1: {  	s6 =	rddreg [dreg:$0x0]  }
0x2: {  	s5 =	rddreg [dreg:$0x1]  }
0x3: {  	s2 =	rddreg [dreg:$0x2]  }
0x4: {  	s0 =	rddreg [dreg:$0x3];
	s1 =	stileid.u32  }
0x5: {  	s4 =	srdreg.scid;
	s3 =	simm.s32 $0x0;
	s13 =	simm.s32 $0x80  }
0x6: {  	s14 =	simm.s32 $0x0;
	s7 =	smul.u32 $0x14000, s1;
	s8 =	sand.u32 $0x1, s4  }
0x7: {  	[smem:$0x7FF] =	sst s3;
	s4 =	sadd.s32 $0x2A600, s5;
	s11 =	smul.u32 $0x50000, s1  }
0x8: {  	s31 =	sshll.u32 s1, $0x6;
	s9 =	smul.u32 $0x140000, s8;
	_ =	strace $0x80000047  }
0x9: {  	s28 =	sshll.u32 s8, $0x4;
	s8 =	ssub.s32 $0x2, s8;
	s10 =	sshrl.u32 s7, $0x3  }
0xa: {  	s12 =	sshrl.u32 s8, $0x1;
	s29 =	sshrl.u32 s11, $0x2;
	s11 =	sor.u32 $0x1C01, s31  }
0xb: {  	s10 =	sadd.s32 s10, s5;
	s7 =	sadd.s32 s7, s9;
	s9 =	sor.u32 s1, s28  }
0xc: {  	s8 =	ssub.s32 s8, s12;
	s30 =	sadd.s32 s29, s2;
	s7 =	sshrl.u32 s7, $0x3  }
0xd: {  	s9 =	smul.u32 $0x500, s9;
	s8 =	smax.u32 s8, $0x1;
	s12 =	sshrl.u32 s30, $0x3  }
0xe: {  	s7 =	sadd.s32 s7, s5;
	s5 =	sadd.s32 $0x2600, s10;
	s10 =	simm.s32 $0x1  }
0xf: {  	s6 =	sadd.s32 s6, s9;
	s7 =	sadd.s32 $0x2AE00, s7;
	s9 =	simm.s32 $0x2800  }
.LBB2_1:
0x10: {  	[tilespmem:s9], [sflag:$0x1] =	stream.linear.gather [hbm4b:s4+s3], $0x4000, $0x38;
	[tilespmem:$0x1A800] =	vst v63  }
0x11: {  	_ =	swait.ge [sflag:s10], $0x4000  }
0x12: {  	[sflag:s10] =	ssyncset.done $0x0  }
0x13: {  	[sflag:s10] =	ssyncadd.s32 $0xFFFFC000  }
0x14: {  	[spmem:s12], [sflag:s11] =	dma.local [hbm:s5], $0x2800  }
0x15: {  	_ =	swait.ge [sflag:s10], $0x2800  }
0x16: {  	[sflag:s10] =	ssyncset.done $0x0  }
0x17: {  	[sflag:s10] =	ssyncadd.s32 $0xFFFFD800  }
0x18: {  	[tilespmem:s3], [sflag:$0x1] =	stream.linear.gather [hbm4b:s6+s3], $0x2800, $0x38;
	[tilespmem:$0x1A800] =	vst v63  }
0x19: {  	_ =	swait.ge [sflag:s10], $0x2800  }
0x1a: {  	[sflag:s10] =	ssyncset.done $0x0  }
0x1b: {  	[sflag:s10] =	ssyncadd.s32 $0xFFFFD800  }
0x1c: {  	s15 =	simm.s32 $0x0;
	[bflag:$0x0] =	sbarrier.arrive $0xFFFF  }
0x1d: {  	[spmem:s2] =	stream.indirect.scatter.add.f32 [tilespmem:s9], [sflag:$0x1], $0x80, s15, s13, $0xb8;
	[tilespmem:$0x1A800] =	vst v63  }
0x1e: {  	_ =	swait.ge [sflag:s10], $0x4000  }
0x1f: {  	s15 =	simm.s32 $0x200;
	[sflag:s10] =	ssyncset.done $0x0  }
.LBB2_2:
0x20: {  	s16 =	sshra.s32 s15, $0x2;
	[sflag:s10] =	ssyncadd.s32 $0xFFFFC000;
	p0 =	sne.s32 s15, $0x9C00  }
0x21: {  	[spmem:s2] =	stream.indirect.scatter.add.f32 [tilespmem:s9], [sflag:$0x1], $0x80, s16, s13, $0xb8;
	[tilespmem:$0x1A800] =	vst v63  }
.Ltmp0:
0x22: {  	_ = 	snop;
	(pc) =	sbr.rel @p0 .LBB2_2-.Ltmp0, $4  }
0x23: {  	_ = 	snop  }
0x24: {  	s15 =	sadd.s32 $0x200, s15  }
0x25: {  	_ =	swait.ge [sflag:s10], $0x4000  }
0x26: {  	[sflag:s10] =	ssyncset.done $0x0  }
0x27: {  	s14 =	sadd.s32 $0x1, s14  }
0x28: {  	[sflag:s10] =	ssyncadd.s32 $0xFFFFC000;
	p0 =	sne.s32 s14, s8  }
.Ltmp1:
0x29: {  	[bflag:$0x0] =	sbarrier.arrive $0xFFFF;
	(pc) =	sbr.rel @p0 .LBB2_1-.Ltmp1, $4  }
0x2a: {  	[hbm:s7], [sflag:s11] =	dma.local [spmem:s12], $0x2800  }
0x2b: {  	_ =	swait.ge [sflag:s10], $0x2800  }
0x2c: {  	[sflag:s10] =	ssyncset.done $0x0  }
0x2d: {  	[sflag:s10] =	ssyncadd.s32 $0xFFFFD800  }
0x2e: {  	_ =	sfence.sel $0x180000  }
0x2f: {  	[bflag:$0x0] =	sbarrier.arrive $0xFFFF  }
0x30: {  	p0 =	sne.s32 s1, $0x0;
	_ =	strace $0x90000047  }
0x31: {  	s0 =	sadd.s32 @!p0 $0x100000, s0;
	[bflag:$0x2] =	sbarrier.arrive $0xFFFF  }
0x32: {  	[sflag:s0] =	ssyncadd.tile.s32 @!p0 $0x1;
	_ =	shalt  }
.Lfunc_end2:
_tile_overlayer_lowered:
.L_overlay_start_2:
0x33: {  	(tag) =	ssettag $0x2  }
0x34: {  	s0 =	rddreg [dreg:$0x0];
	s2 =	stileid.u32  }
0x35: {  	s1 =	rddreg [dreg:$0x1];
	p0 =	sne.s32 s2, $0x0  }
0x36: {  	s3 =	rddreg [dreg:$0x2];
	[bflag:$0x3] =	sbarrier.arrive $0xFFFF;
	s2 =	simm.s32 @!p0 $0x1C01  }
0x37: {  	[timem:s3], [sflag:s2] =	dma.local @!p0 [hbm:s0], s1  }
0x38: {  	s0 =	simm.s32 @!p0 $0x1  }
0x39: {  	_ =	swait.ge @!p0 [sflag:s0], s1  }
0x3a: {  	s1 =	ssub.s32 @!p0 $0x0, s1;
	[sflag:s0] =	ssyncset.done @!p0 $0x0  }
0x3b: {  	[sflag:s0] =	ssyncadd.s32 @!p0 s1  }
0x3c: {  	[bflag:$0x3] =	sbarrier.arrive $0xFFFF  }
0x3d: {  	_ =	shalt  }

</sc_bundles>
